<compile_context>
chip_gen: v7x
topology: tpu7x:2x2x1
jax: 0.10.2.dev20260603
libtpu: 0.0.44.dev20260713+nightly
codegen_flags: <defaults>
</compile_context>

<pallas_src>
import functools

import jax
import jax.numpy as jnp
from jax import lax
from jax.experimental import pallas as pl
from jax.experimental.pallas import tpu as pltpu
from jax.experimental.pallas import tpu_sc as plsc

NUM_EXPERTS = 8
DIM = 1024
DIM4ROUTE = 128
HID = 4096
T = 4096
TB = 512
BT = 256
PADDED_T = T + NUM_EXPERTS * BT
NUM_TILES = PADDED_T // BT

NC = 2
NS = 16
NW = NC * NS
TPW = T // NW
CH = 32
NCH = TPW // CH



def _routing_body(x_ref, wr_ref, norms_ref, sel_ref, rank_ref, counts_ref,
                  loss_ref, start16_ref, te_ref, runc_ref, psum_ref):
    i = pl.program_id(0)

    @pl.when(i == 0)
    def _init():
        runc_ref[...] = jnp.zeros_like(runc_ref)
        psum_ref[...] = jnp.zeros_like(psum_ref)

    x = x_ref[...]
    wr = wr_ref[...]
    cols = []
    for e in range(NUM_EXPERTS):
        a = jnp.dot(x, wr[e], preferred_element_type=jnp.float32)
        cols.append(jnp.sum(a * a, axis=1, keepdims=True))
    norms = jnp.sqrt(jnp.concatenate(cols, axis=1))
    norms_ref[...] = norms

    m = jnp.max(norms, axis=1, keepdims=True)
    p = jnp.exp(norms - m)
    probs = p / jnp.sum(p, axis=1, keepdims=True)

    ids = lax.broadcasted_iota(jnp.int32, (TB, NUM_EXPERTS), 1)
    maxp = jnp.max(probs, axis=1, keepdims=True)
    sel = jnp.min(jnp.where(probs == maxp, ids, NUM_EXPERTS), axis=1)
    oh = (ids == sel[:, None]).astype(jnp.float32)

    tri = (lax.broadcasted_iota(jnp.int32, (TB, TB), 0)
           >= lax.broadcasted_iota(jnp.int32, (TB, TB), 1)).astype(jnp.float32)
    prefix = jnp.dot(tri, oh, preferred_element_type=jnp.float32)
    runc = runc_ref[...]
    rank = (jnp.sum(oh * prefix, axis=1) - 1.0
            + jnp.sum(oh * runc, axis=1))

    sel_ref[...] = sel.reshape(1, 1, TB)
    rank_ref[...] = rank.astype(jnp.int32).reshape(1, 1, TB)

    runc_ref[...] = runc + jnp.sum(oh, axis=0, keepdims=True)
    psum_ref[...] = psum_ref[...] + jnp.sum(probs, axis=0, keepdims=True)

    @pl.when(i == pl.num_programs(0) - 1)
    def _fin():
        cnt = runc_ref[...]
        counts_ref[...] = cnt.astype(jnp.int32)
        loss_ref[...] = jnp.sum(
            cnt * psum_ref[...], axis=1, keepdims=True) * (
            NUM_EXPERTS / (T * float(T)))
        caps = jnp.ceil(cnt * (1.0 / BT)) * BT
        tri = (lax.broadcasted_iota(jnp.int32, (NUM_EXPERTS, NUM_EXPERTS), 0)
               <= lax.broadcasted_iota(jnp.int32,
                                       (NUM_EXPERTS, NUM_EXPERTS), 1)
               ).astype(jnp.float32)
        cum = jnp.dot(caps, tri, preferred_element_type=jnp.float32)
        start = cum - caps
        ntile = cum[:, NUM_EXPERTS - 1:] * (1.0 / BT)
        start16_ref[...] = jnp.concatenate(
            [start, ntile, jnp.zeros((1, 7), jnp.float32)],
            axis=1).astype(jnp.int32)
        ts = (lax.broadcasted_iota(jnp.int32, (NUM_TILES, 1), 0)
              .astype(jnp.float32) * float(BT))
        te = jnp.sum((cum <= ts).astype(jnp.float32), axis=1, keepdims=True)
        te_ref[...] = jnp.minimum(te, NUM_EXPERTS - 1).astype(jnp.int32)


def _routing(hs, w_route):
    nblk = T // TB
    return pl.pallas_call(
        _routing_body,
        grid=(nblk,),
        in_specs=[
            pl.BlockSpec((TB, DIM), lambda i: (i, 0)),
            pl.BlockSpec((NUM_EXPERTS, DIM, DIM4ROUTE), lambda i: (0, 0, 0)),
        ],
        out_specs=[
            pl.BlockSpec((TB, NUM_EXPERTS), lambda i: (i, 0)),
            pl.BlockSpec((1, 1, TB), lambda i: (i, 0, 0)),
            pl.BlockSpec((1, 1, TB), lambda i: (i, 0, 0)),
            pl.BlockSpec((1, NUM_EXPERTS), lambda i: (0, 0)),
            pl.BlockSpec((1, 1), lambda i: (0, 0)),
            pl.BlockSpec((1, 16), lambda i: (0, 0)),
            pl.BlockSpec((NUM_TILES, 1), lambda i: (0, 0)),
        ],
        out_shape=[
            jax.ShapeDtypeStruct((T, NUM_EXPERTS), jnp.float32),
            jax.ShapeDtypeStruct((nblk, 1, TB), jnp.int32),
            jax.ShapeDtypeStruct((nblk, 1, TB), jnp.int32),
            jax.ShapeDtypeStruct((1, NUM_EXPERTS), jnp.int32),
            jax.ShapeDtypeStruct((1, 1), jnp.float32),
            jax.ShapeDtypeStruct((1, 16), jnp.int32),
            jax.ShapeDtypeStruct((NUM_TILES, 1), jnp.int32),
        ],
        scratch_shapes=[
            pltpu.VMEM((1, NUM_EXPERTS), jnp.float32),
            pltpu.VMEM((1, NUM_EXPERTS), jnp.float32),
        ],
    )(hs, w_route)



def _dispatch_body(hs_hbm, sel_hbm, rank_hbm, start_hbm,
                   hs_sorted_hbm, pos_hbm,
                   start_v, sel_v, rank_v, pos2d, rows0, rows1,
                   isem0, isem1, osem0, osem1):
    wid = lax.axis_index("s") * NC + lax.axis_index("c")
    base = wid * TPW
    bufs = (rows0, rows1)
    isems = (isem0, isem1)
    osems = (osem0, osem1)
    inc = [pltpu.async_copy(hs_hbm.at[pl.ds(base + c * CH, CH)],
                            bufs[c % 2], isems[c % 2]) for c in range(2)]
    pltpu.sync_copy(start_hbm, start_v)
    pltpu.sync_copy(sel_hbm.at[pl.ds(base, TPW)], sel_v)
    pltpu.sync_copy(rank_hbm.at[pl.ds(base, TPW)], rank_v)
    for j in range(TPW // 16):
        s = sel_v[pl.ds(j * 16, 16)]
        r = rank_v[pl.ds(j * 16, 16)]
        st = plsc.load_gather(start_v, [s])
        pos2d[(j * 16) // CH, pl.ds((j * 16) % CH, 16)] = st + r
    pltpu.sync_copy(pos2d, pos_hbm.at[wid])
    scat = [None, None]
    for c in range(NCH):
        b = c % 2
        inc[c].wait()
        scat[b] = pltpu.async_copy(bufs[b], hs_sorted_hbm.at[pos2d.at[c]],
                                   osems[b])
        if c + 2 < NCH:
            scat[b].wait()
            inc.append(pltpu.async_copy(
                hs_hbm.at[pl.ds(base + (c + 2) * CH, CH)], bufs[b],
                isems[b]))
    scat[(NCH - 2) % 2].wait()
    scat[(NCH - 1) % 2].wait()


def _dispatch(hs, sel, rank, start16):
    mesh = plsc.VectorSubcoreMesh(core_axis_name="c", subcore_axis_name="s")
    fn = functools.partial(
        pl.kernel,
        out_type=[
            jax.ShapeDtypeStruct((PADDED_T, DIM), jnp.float32),
            jax.ShapeDtypeStruct((NW, NCH, CH), jnp.int32),
        ],
        mesh=mesh,
        scratch_types=[
            pltpu.VMEM((16,), jnp.int32),
            pltpu.VMEM((TPW,), jnp.int32),
            pltpu.VMEM((TPW,), jnp.int32),
            pltpu.VMEM((NCH, CH), jnp.int32),
            pltpu.VMEM((CH, DIM), jnp.float32),
            pltpu.VMEM((CH, DIM), jnp.float32),
            pltpu.SemaphoreType.DMA,
            pltpu.SemaphoreType.DMA,
            pltpu.SemaphoreType.DMA,
            pltpu.SemaphoreType.DMA,
        ],
        compiler_params=pltpu.CompilerParams(needs_layout_passes=False),
    )(_dispatch_body)
    return fn(hs, sel, rank, start16)



HH = HID // 2


def _ffn_compute(x_ref, wr_ref, w3_ref, w1_ref, w2_ref):
    x = x_ref[...]
    a = jnp.dot(x, wr_ref[0], preferred_element_type=jnp.float32)
    h3 = jnp.dot(x, w3_ref[0], preferred_element_type=jnp.float32)
    h1 = jnp.dot(a, w1_ref[0], preferred_element_type=jnp.float32)
    cur = h3 * (h1 * jax.nn.sigmoid(h1))
    return jnp.dot(cur, w2_ref[0], preferred_element_type=jnp.float32)


def _ffn_body_first(te_ref, x_ref, wr_ref, w3_ref, w1_ref, w2_ref, o_ref):
    o_ref[...] = _ffn_compute(x_ref, wr_ref, w3_ref, w1_ref, w2_ref)


def _ffn_body_second(te_ref, x_ref, wr_ref, w3_ref, w1_ref, w2_ref, c_ref,
                     o_ref):
    o_ref[...] = c_ref[...] + _ffn_compute(x_ref, wr_ref, w3_ref, w1_ref,
                                           w2_ref)


def _ffn_half(n_tiles, tile_expert, hs_sorted, w_route, w3, w1, w2, half,
              carry):
    h = half
    in_specs = [
        pl.BlockSpec((BT, DIM), lambda i, te: (i, 0)),
        pl.BlockSpec((1, DIM, DIM4ROUTE), lambda i, te: (te[i], 0, 0)),
        pl.BlockSpec((1, DIM, HH), lambda i, te: (te[i], 0, h)),
        pl.BlockSpec((1, DIM4ROUTE, HH), lambda i, te: (te[i], 0, h)),
        pl.BlockSpec((1, HH, DIM), lambda i, te: (te[i], h, 0)),
    ]
    args = [tile_expert, hs_sorted, w_route, w3, w1, w2]
    body = _ffn_body_first
    if carry is not None:
        in_specs.append(pl.BlockSpec((BT, DIM), lambda i, te: (i, 0)))
        args.append(carry)
        body = _ffn_body_second
    grid_spec = pltpu.PrefetchScalarGridSpec(
        num_scalar_prefetch=1,
        grid=(n_tiles,),
        in_specs=in_specs,
        out_specs=pl.BlockSpec((BT, DIM), lambda i, te: (i, 0)),
    )
    return pl.pallas_call(
        body,
        grid_spec=grid_spec,
        out_shape=jax.ShapeDtypeStruct((PADDED_T, DIM), jnp.float32),
        compiler_params=pltpu.CompilerParams(
            vmem_limit_bytes=100 * 1024 * 1024),
    )(*args)


def _ffn(n_tiles, tile_expert, hs_sorted, w_route, w3, w1, w2):
    part = _ffn_half(n_tiles, tile_expert, hs_sorted, w_route, w3, w1, w2,
                     0, None)
    return _ffn_half(n_tiles, tile_expert, hs_sorted, w_route, w3, w1, w2,
                     1, part)



def _combine_body(src_hbm, pos_hbm, final_hbm, pos2d, rows0, rows1,
                  isem0, isem1, osem0, osem1):
    wid = lax.axis_index("s") * NC + lax.axis_index("c")
    base = wid * TPW
    bufs = (rows0, rows1)
    isems = (isem0, isem1)
    osems = (osem0, osem1)
    pltpu.sync_copy(pos_hbm.at[wid], pos2d)
    gat = [pltpu.async_copy(src_hbm.at[pos2d.at[c]], bufs[c % 2],
                            isems[c % 2]) for c in range(2)]
    wr = [None, None]
    for c in range(NCH):
        b = c % 2
        gat[c].wait()
        wr[b] = pltpu.async_copy(bufs[b],
                                 final_hbm.at[pl.ds(base + c * CH, CH)],
                                 osems[b])
        if c + 2 < NCH:
            wr[b].wait()
            gat.append(pltpu.async_copy(src_hbm.at[pos2d.at[c + 2]],
                                        bufs[b], isems[b]))
    wr[(NCH - 2) % 2].wait()
    wr[(NCH - 1) % 2].wait()


def _combine(out_sorted, pos):
    mesh = plsc.VectorSubcoreMesh(core_axis_name="c", subcore_axis_name="s")
    fn = functools.partial(
        pl.kernel,
        out_type=jax.ShapeDtypeStruct((T, DIM), jnp.float32),
        mesh=mesh,
        scratch_types=[
            pltpu.VMEM((NCH, CH), jnp.int32),
            pltpu.VMEM((CH, DIM), jnp.float32),
            pltpu.VMEM((CH, DIM), jnp.float32),
            pltpu.SemaphoreType.DMA,
            pltpu.SemaphoreType.DMA,
            pltpu.SemaphoreType.DMA,
            pltpu.SemaphoreType.DMA,
        ],
    )(_combine_body)
    return fn(out_sorted, pos)



def kernel(hidden_states, W_route, W3, W1, W2):
    b, s, d = hidden_states.shape
    hs = hidden_states.reshape(-1, d)

    norms, sel3, rank3, counts, loss, start16, te = _routing(hs, W_route)
    del counts
    sel = sel3.reshape(T)
    rank = rank3.reshape(T)
    s16 = start16.reshape(16)
    n_tiles = s16[8]
    tile_expert = te.reshape(NUM_TILES)

    hs_sorted, pos = _dispatch(hs, sel, rank, s16)
    out_sorted = _ffn(n_tiles, tile_expert, hs_sorted, W_route, W3, W1, W2)
    final = _combine(out_sorted, pos)

    return (final.reshape(b, s, d), norms, loss.reshape(()))

# --- scband reference (transcript-rebuilt; emitter-appended) ---
"""Pipeline reference for scband-ao-e-17738214933201 (READ-ONLY COPY).

The authoritative reference and input builder live on the scoring server;
editing this copy changes nothing except your own understanding.
"""

import jax, jax.numpy as jnp
import numpy as np

NUM_EXPERTS = 8
TOP_K = 1
DIM = 1024
DIM4ROUTE = 128
EXPERT_HIDDEN = 4096  # fuel(=1) * fuel_dim(=4096) per wander expert


def setup_inputs(seed: int = 0) -> dict:
    key = jax.random.key(seed)
    k_hs, k_wr, k_w3, k_w1, k_w2 = jax.random.split(key, 5)
    hidden_states = jax.random.normal(k_hs, (2, 2048, DIM), dtype=jnp.float32)
    # Stacked per-expert parameters of ExpertNoRouter
    W_route = 0.02 * jax.random.normal(k_wr, (NUM_EXPERTS, DIM, DIM4ROUTE), dtype=jnp.float32)   # dim_to_dim4route
    W3 = 0.02 * jax.random.normal(k_w3, (NUM_EXPERTS, DIM, EXPERT_HIDDEN), dtype=jnp.float32)    # dim_to_hidden_dim
    W1 = 0.02 * jax.random.normal(k_w1, (NUM_EXPERTS, DIM4ROUTE, EXPERT_HIDDEN), dtype=jnp.float32)  # dim4route_to_hidden_dim
    W2 = 0.02 * jax.random.normal(k_w2, (NUM_EXPERTS, EXPERT_HIDDEN, DIM), dtype=jnp.float32)    # hidden_dim_to_dim
    return {"hidden_states": hidden_states, "W_route": W_route, "W3": W3, "W1": W1, "W2": W2}


def _load_balancing_loss(logits, num_experts, top_k):
    routing_weights = jax.nn.softmax(logits, axis=-1)
    _, selected_experts = jax.lax.top_k(routing_weights, top_k)
    expert_mask = jax.nn.one_hot(selected_experts, num_experts, dtype=jnp.float32)  # [T, k, E]
    tokens_per_expert = jnp.mean(expert_mask, axis=0)                 # [k, E]
    router_prob_per_expert = jnp.mean(routing_weights, axis=0)        # [E]
    overall_loss = jnp.sum(tokens_per_expert * router_prob_per_expert[None, :])
    return overall_loss * num_experts


def reference(hidden_states, W_route, W3, W1, W2):
    batch_size, sequence_length, dim = hidden_states.shape
    hs = hidden_states.reshape(-1, dim)                                # [T, D]
    # Per-expert routing activations and their norms
    expert_acts = jnp.einsum('td,edr->etr', hs, W_route)               # [E, T, 128]
    expert_act_norms = jnp.linalg.norm(expert_acts, axis=-1).T         # [T, E]
    routing_weights = jax.nn.softmax(expert_act_norms.astype(jnp.float32), axis=1)
    top_w, top_idx = jax.lax.top_k(routing_weights, TOP_K)             # [T, k]
    top_w = top_w / jnp.sum(top_w, axis=-1, keepdims=True)
    top_w = top_w.astype(hs.dtype)
    # gate[t, e] = routing weight if expert e selected for token t else 0
    onehot = jax.nn.one_hot(top_idx, NUM_EXPERTS, dtype=hs.dtype)      # [T, k, E]
    gates = jnp.sum(onehot * top_w[..., None], axis=1)                 # [T, E]
    final = jnp.zeros((hs.shape[0], dim), dtype=hs.dtype)
    for e in range(NUM_EXPERTS):
        w3_state = hs @ W3[e]                                          # [T, H]
        w1_state = expert_acts[e] @ W1[e]                              # [T, H]
        cur = w3_state * jax.nn.silu(w1_state)
        cur = (cur @ W2[e]) * gates[:, e, None]                        # [T, D]
        final = final + cur
    final = final.reshape(batch_size, sequence_length, dim)
    bl_loss = _load_balancing_loss(expert_act_norms, NUM_EXPERTS, TOP_K)
    return (final, expert_act_norms, bl_loss)

if __name__ == "__main__":
    import jax
    _d = setup_inputs()
    print(jax.jit(kernel)(*tuple(_d.values())))

</pallas_src>

<mosaic_0001>
#map = affine_map<(d0, d1) -> (0, 0)>
#map1 = affine_map<(d0, d1) -> (0, 0, 0)>
module attributes {stable_mosaic.version = 14 : i64} {
  func.func @_combine_body(%arg0: i32, %arg1: i32, %arg2: memref<6144x1024xf32, #tpu.memory_space<hbm>>, %arg3: memref<32x4x32xi32, #tpu.memory_space<hbm>>, %arg4: memref<4096x1024xf32, #tpu.memory_space<hbm>>, %arg5: memref<4x32xi32, #tpu.memory_space<vmem>>, %arg6: memref<32x1024xf32, #tpu.memory_space<vmem>>, %arg7: memref<32x1024xf32, #tpu.memory_space<vmem>>, %arg8: memref<!tpu.dma_semaphore, #tpu.memory_space<semaphore_mem>>, %arg9: memref<!tpu.dma_semaphore, #tpu.memory_space<semaphore_mem>>, %arg10: memref<!tpu.dma_semaphore, #tpu.memory_space<semaphore_mem>>, %arg11: memref<!tpu.dma_semaphore, #tpu.memory_space<semaphore_mem>>) attributes {dimension_semantics = [#tpu.dimension_semantics<core_parallel>, #tpu.dimension_semantics<subcore_parallel>], iteration_bounds = array<i64: 2, 16>, scalar_prefetch = 0 : i64, scratch_operands = 7 : i64, tpu.core_type = #tpu.core_type<sc_vector_subcore>, window_params = [{transform_indices = #map}, {transform_indices = #map1}, {transform_indices = #map}]} {
    %mul3A = arith.constant 2 : i32
    %mul3A_0 = arith.muli %arg1, %mul3A : i32
    %add3A = arith.addi %mul3A_0, %arg0 : i32
    %mul3A_1 = arith.constant 128 : i32
    %mul3A_2 = arith.muli %add3A, %mul3A_1 : i32
    "tpu.region"() ({
      %run_scoped3A = tpu.sem_alloc : memref<!tpu.dma_semaphore, #tpu.memory_space<semaphore_mem>>
      %dma_start3A_97 = arith.constant 0 : i32
      %dma_start3A_98 = arith.constant 0 : i32
      %dma_start3A_99 = tpu.memref_slice %arg3[%add3A, %dma_start3A_97, %dma_start3A_98] : memref<32x4x32xi32, #tpu.memory_space<hbm>> -> memref<1x4x32xi32, #tpu.memory_space<hbm>>
      %dma_start3A_100 = tpu.memref_squeeze %dma_start3A_99 : memref<1x4x32xi32, #tpu.memory_space<hbm>> -> memref<4x32xi32, #tpu.memory_space<hbm>>
      %dma_start3A_101 = arith.constant 0 : i32
      %dma_start3A_102 = arith.constant 0 : i32
      %dma_start3A_103 = tpu.memref_slice %arg3[%add3A, %dma_start3A_101, %dma_start3A_102] : memref<32x4x32xi32, #tpu.memory_space<hbm>> -> memref<1x4x32xi32, #tpu.memory_space<hbm>>
      %dma_start3A_104 = tpu.memref_squeeze %dma_start3A_103 : memref<1x4x32xi32, #tpu.memory_space<hbm>> -> memref<4x32xi32, #tpu.memory_space<hbm>>
      tpu.enqueue_dma source(%dma_start3A_104 : memref<4x32xi32, #tpu.memory_space<hbm>>) target(%arg5 : memref<4x32xi32, #tpu.memory_space<vmem>>) target_semaphore(%run_scoped3A : memref<!tpu.dma_semaphore, #tpu.memory_space<semaphore_mem>>)
      %dma_wait3A_105 = arith.constant 0 : i32
      %dma_wait3A_106 = arith.constant 0 : i32
      %dma_wait3A_107 = tpu.memref_slice %arg3[%add3A, %dma_wait3A_105, %dma_wait3A_106] : memref<32x4x32xi32, #tpu.memory_space<hbm>> -> memref<1x4x32xi32, #tpu.memory_space<hbm>>
      %dma_wait3A_108 = tpu.memref_squeeze %dma_wait3A_107 : memref<1x4x32xi32, #tpu.memory_space<hbm>> -> memref<4x32xi32, #tpu.memory_space<hbm>>
      %dma_wait3A_109 = arith.constant 0 : i32
      %dma_wait3A_110 = arith.constant 0 : i32
      %dma_wait3A_111 = tpu.memref_slice %arg3[%add3A, %dma_wait3A_109, %dma_wait3A_110] : memref<32x4x32xi32, #tpu.memory_space<hbm>> -> memref<1x4x32xi32, #tpu.memory_space<hbm>>
      %dma_wait3A_112 = tpu.memref_squeeze %dma_wait3A_111 : memref<1x4x32xi32, #tpu.memory_space<hbm>> -> memref<4x32xi32, #tpu.memory_space<hbm>>
      tpu.wait_dma2 semaphore(%run_scoped3A : memref<!tpu.dma_semaphore, #tpu.memory_space<semaphore_mem>>) src(%dma_wait3A_112 : memref<4x32xi32, #tpu.memory_space<hbm>>) dst(%arg5 : memref<4x32xi32, #tpu.memory_space<vmem>>)
      tpu.yield
    }) : () -> ()
    %dma_start3A = arith.constant 0 : i32
    %dma_start3A_3 = arith.constant 0 : i32
    %dma_start3A_4 = tpu.memref_slice %arg5[%dma_start3A, %dma_start3A_3] : memref<4x32xi32, #tpu.memory_space<vmem>> -> memref<1x32xi32, #tpu.memory_space<vmem>>
    %dma_start3A_5 = tpu.memref_squeeze %dma_start3A_4 : memref<1x32xi32, #tpu.memory_space<vmem>> -> memref<32xi32, #tpu.memory_space<vmem>>
    %dma_start3A_6 = arith.constant 0 : i32
    %dma_start3A_7 = arith.constant 0 : i32
    %dma_start3A_8 = tpu.memref_slice %arg2[%dma_start3A_6, %dma_start3A_7] : memref<6144x1024xf32, #tpu.memory_space<hbm>> -> memref<6144x1024xf32, #tpu.memory_space<hbm>>
    tpu.enqueue_indirect_dma source(%dma_start3A_8 : memref<6144x1024xf32, #tpu.memory_space<hbm>>) target(%arg6 : memref<32x1024xf32, #tpu.memory_space<vmem>>) offsets(%dma_start3A_5 : memref<32xi32, #tpu.memory_space<vmem>>) semaphore(%arg8 : memref<!tpu.dma_semaphore, #tpu.memory_space<semaphore_mem>>)
    %dma_start3A_9 = arith.constant 1 : i32
    %dma_start3A_10 = arith.constant 0 : i32
    %dma_start3A_11 = tpu.memref_slice %arg5[%dma_start3A_9, %dma_start3A_10] : memref<4x32xi32, #tpu.memory_space<vmem>> -> memref<1x32xi32, #tpu.memory_space<vmem>>
    %dma_start3A_12 = tpu.memref_squeeze %dma_start3A_11 : memref<1x32xi32, #tpu.memory_space<vmem>> -> memref<32xi32, #tpu.memory_space<vmem>>
    %dma_start3A_13 = arith.constant 0 : i32
    %dma_start3A_14 = arith.constant 0 : i32
    %dma_start3A_15 = tpu.memref_slice %arg2[%dma_start3A_13, %dma_start3A_14] : memref<6144x1024xf32, #tpu.memory_space<hbm>> -> memref<6144x1024xf32, #tpu.memory_space<hbm>>
    tpu.enqueue_indirect_dma source(%dma_start3A_15 : memref<6144x1024xf32, #tpu.memory_space<hbm>>) target(%arg7 : memref<32x1024xf32, #tpu.memory_space<vmem>>) offsets(%dma_start3A_12 : memref<32xi32, #tpu.memory_space<vmem>>) semaphore(%arg9 : memref<!tpu.dma_semaphore, #tpu.memory_space<semaphore_mem>>)
    %dma_wait3A = arith.constant 0 : i32
    %dma_wait3A_16 = arith.constant 0 : i32
    %dma_wait3A_17 = tpu.memref_slice %arg5[%dma_wait3A, %dma_wait3A_16] : memref<4x32xi32, #tpu.memory_space<vmem>> -> memref<1x32xi32, #tpu.memory_space<vmem>>
    %dma_wait3A_18 = tpu.memref_squeeze %dma_wait3A_17 : memref<1x32xi32, #tpu.memory_space<vmem>> -> memref<32xi32, #tpu.memory_space<vmem>>
    %dma_wait3A_19 = arith.constant 0 : i32
    %dma_wait3A_20 = arith.constant 0 : i32
    %dma_wait3A_21 = tpu.memref_slice %arg2[%dma_wait3A_19, %dma_wait3A_20] : memref<6144x1024xf32, #tpu.memory_space<hbm>> -> memref<6144x1024xf32, #tpu.memory_space<hbm>>
    tpu.wait_indirect_dma semaphore(%arg8 : memref<!tpu.dma_semaphore, #tpu.memory_space<semaphore_mem>>) src(%dma_wait3A_21 : memref<6144x1024xf32, #tpu.memory_space<hbm>>) dst(%arg6 : memref<32x1024xf32, #tpu.memory_space<vmem>>)
    %add3A_22 = arith.constant 0 : i32
    %add3A_23 = arith.addi %mul3A_2, %add3A_22 : i32
    %dma_start3A_24 = arith.constant 0 : i32
    %dma_start3A_25 = tpu.memref_slice %arg4[%add3A_23, %dma_start3A_24] : memref<4096x1024xf32, #tpu.memory_space<hbm>> -> memref<32x1024xf32, #tpu.memory_space<hbm>>
    %dma_start3A_26 = arith.constant 0 : i32
    %dma_start3A_27 = tpu.memref_slice %arg4[%add3A_23, %dma_start3A_26] : memref<4096x1024xf32, #tpu.memory_space<hbm>> -> memref<32x1024xf32, #tpu.memory_space<hbm>>
    tpu.enqueue_dma source(%arg6 : memref<32x1024xf32, #tpu.memory_space<vmem>>) target(%dma_start3A_27 : memref<32x1024xf32, #tpu.memory_space<hbm>>) target_semaphore(%arg10 : memref<!tpu.dma_semaphore, #tpu.memory_space<semaphore_mem>>)
    %dma_wait3A_28 = arith.constant 0 : i32
    %dma_wait3A_29 = tpu.memref_slice %arg4[%add3A_23, %dma_wait3A_28] : memref<4096x1024xf32, #tpu.memory_space<hbm>> -> memref<32x1024xf32, #tpu.memory_space<hbm>>
    %dma_wait3A_30 = arith.constant 0 : i32
    %dma_wait3A_31 = tpu.memref_slice %arg4[%add3A_23, %dma_wait3A_30] : memref<4096x1024xf32, #tpu.memory_space<hbm>> -> memref<32x1024xf32, #tpu.memory_space<hbm>>
    tpu.wait_dma2 semaphore(%arg10 : memref<!tpu.dma_semaphore, #tpu.memory_space<semaphore_mem>>) src(%arg6 : memref<32x1024xf32, #tpu.memory_space<vmem>>) dst(%dma_wait3A_31 : memref<32x1024xf32, #tpu.memory_space<hbm>>)
    %dma_start3A_32 = arith.constant 2 : i32
    %dma_start3A_33 = arith.constant 0 : i32
    %dma_start3A_34 = tpu.memref_slice %arg5[%dma_start3A_32, %dma_start3A_33] : memref<4x32xi32, #tpu.memory_space<vmem>> -> memref<1x32xi32, #tpu.memory_space<vmem>>
    %dma_start3A_35 = tpu.memref_squeeze %dma_start3A_34 : memref<1x32xi32, #tpu.memory_space<vmem>> -> memref<32xi32, #tpu.memory_space<vmem>>
    %dma_start3A_36 = arith.constant 0 : i32
    %dma_start3A_37 = arith.constant 0 : i32
    %dma_start3A_38 = tpu.memref_slice %arg2[%dma_start3A_36, %dma_start3A_37] : memref<6144x1024xf32, #tpu.memory_space<hbm>> -> memref<6144x1024xf32, #tpu.memory_space<hbm>>
    tpu.enqueue_indirect_dma source(%dma_start3A_38 : memref<6144x1024xf32, #tpu.memory_space<hbm>>) target(%arg6 : memref<32x1024xf32, #tpu.memory_space<vmem>>) offsets(%dma_start3A_35 : memref<32xi32, #tpu.memory_space<vmem>>) semaphore(%arg8 : memref<!tpu.dma_semaphore, #tpu.memory_space<semaphore_mem>>)
    %dma_wait3A_39 = arith.constant 1 : i32
    %dma_wait3A_40 = arith.constant 0 : i32
    %dma_wait3A_41 = tpu.memref_slice %arg5[%dma_wait3A_39, %dma_wait3A_40] : memref<4x32xi32, #tpu.memory_space<vmem>> -> memref<1x32xi32, #tpu.memory_space<vmem>>
    %dma_wait3A_42 = tpu.memref_squeeze %dma_wait3A_41 : memref<1x32xi32, #tpu.memory_space<vmem>> -> memref<32xi32, #tpu.memory_space<vmem>>
    %dma_wait3A_43 = arith.constant 0 : i32
    %dma_wait3A_44 = arith.constant 0 : i32
    %dma_wait3A_45 = tpu.memref_slice %arg2[%dma_wait3A_43, %dma_wait3A_44] : memref<6144x1024xf32, #tpu.memory_space<hbm>> -> memref<6144x1024xf32, #tpu.memory_space<hbm>>
    tpu.wait_indirect_dma semaphore(%arg9 : memref<!tpu.dma_semaphore, #tpu.memory_space<semaphore_mem>>) src(%dma_wait3A_45 : memref<6144x1024xf32, #tpu.memory_space<hbm>>) dst(%arg7 : memref<32x1024xf32, #tpu.memory_space<vmem>>)
    %add3A_46 = arith.constant 32 : i32
    %add3A_47 = arith.addi %mul3A_2, %add3A_46 : i32
    %dma_start3A_48 = arith.constant 0 : i32
    %dma_start3A_49 = tpu.memref_slice %arg4[%add3A_47, %dma_start3A_48] : memref<4096x1024xf32, #tpu.memory_space<hbm>> -> memref<32x1024xf32, #tpu.memory_space<hbm>>
    %dma_start3A_50 = arith.constant 0 : i32
    %dma_start3A_51 = tpu.memref_slice %arg4[%add3A_47, %dma_start3A_50] : memref<4096x1024xf32, #tpu.memory_space<hbm>> -> memref<32x1024xf32, #tpu.memory_space<hbm>>
    tpu.enqueue_dma source(%arg7 : memref<32x1024xf32, #tpu.memory_space<vmem>>) target(%dma_start3A_51 : memref<32x1024xf32, #tpu.memory_space<hbm>>) target_semaphore(%arg11 : memref<!tpu.dma_semaphore, #tpu.memory_space<semaphore_mem>>)
    %dma_wait3A_52 = arith.constant 0 : i32
    %dma_wait3A_53 = tpu.memref_slice %arg4[%add3A_47, %dma_wait3A_52] : memref<4096x1024xf32, #tpu.memory_space<hbm>> -> memref<32x1024xf32, #tpu.memory_space<hbm>>
    %dma_wait3A_54 = arith.constant 0 : i32
    %dma_wait3A_55 = tpu.memref_slice %arg4[%add3A_47, %dma_wait3A_54] : memref<4096x1024xf32, #tpu.memory_space<hbm>> -> memref<32x1024xf32, #tpu.memory_space<hbm>>
    tpu.wait_dma2 semaphore(%arg11 : memref<!tpu.dma_semaphore, #tpu.memory_space<semaphore_mem>>) src(%arg7 : memref<32x1024xf32, #tpu.memory_space<vmem>>) dst(%dma_wait3A_55 : memref<32x1024xf32, #tpu.memory_space<hbm>>)
    %dma_start3A_56 = arith.constant 3 : i32
    %dma_start3A_57 = arith.constant 0 : i32
    %dma_start3A_58 = tpu.memref_slice %arg5[%dma_start3A_56, %dma_start3A_57] : memref<4x32xi32, #tpu.memory_space<vmem>> -> memref<1x32xi32, #tpu.memory_space<vmem>>
    %dma_start3A_59 = tpu.memref_squeeze %dma_start3A_58 : memref<1x32xi32, #tpu.memory_space<vmem>> -> memref<32xi32, #tpu.memory_space<vmem>>
    %dma_start3A_60 = arith.constant 0 : i32
    %dma_start3A_61 = arith.constant 0 : i32
    %dma_start3A_62 = tpu.memref_slice %arg2[%dma_start3A_60, %dma_start3A_61] : memref<6144x1024xf32, #tpu.memory_space<hbm>> -> memref<6144x1024xf32, #tpu.memory_space<hbm>>
    tpu.enqueue_indirect_dma source(%dma_start3A_62 : memref<6144x1024xf32, #tpu.memory_space<hbm>>) target(%arg7 : memref<32x1024xf32, #tpu.memory_space<vmem>>) offsets(%dma_start3A_59 : memref<32xi32, #tpu.memory_space<vmem>>) semaphore(%arg9 : memref<!tpu.dma_semaphore, #tpu.memory_space<semaphore_mem>>)
    %dma_wait3A_63 = arith.constant 2 : i32
    %dma_wait3A_64 = arith.constant 0 : i32
    %dma_wait3A_65 = tpu.memref_slice %arg5[%dma_wait3A_63, %dma_wait3A_64] : memref<4x32xi32, #tpu.memory_space<vmem>> -> memref<1x32xi32, #tpu.memory_space<vmem>>
    %dma_wait3A_66 = tpu.memref_squeeze %dma_wait3A_65 : memref<1x32xi32, #tpu.memory_space<vmem>> -> memref<32xi32, #tpu.memory_space<vmem>>
    %dma_wait3A_67 = arith.constant 0 : i32
    %dma_wait3A_68 = arith.constant 0 : i32
    %dma_wait3A_69 = tpu.memref_slice %arg2[%dma_wait3A_67, %dma_wait3A_68] : memref<6144x1024xf32, #tpu.memory_space<hbm>> -> memref<6144x1024xf32, #tpu.memory_space<hbm>>
    tpu.wait_indirect_dma semaphore(%arg8 : memref<!tpu.dma_semaphore, #tpu.memory_space<semaphore_mem>>) src(%dma_wait3A_69 : memref<6144x1024xf32, #tpu.memory_space<hbm>>) dst(%arg6 : memref<32x1024xf32, #tpu.memory_space<vmem>>)
    %add3A_70 = arith.constant 64 : i32
    %add3A_71 = arith.addi %mul3A_2, %add3A_70 : i32
    %dma_start3A_72 = arith.constant 0 : i32
    %dma_start3A_73 = tpu.memref_slice %arg4[%add3A_71, %dma_start3A_72] : memref<4096x1024xf32, #tpu.memory_space<hbm>> -> memref<32x1024xf32, #tpu.memory_space<hbm>>
    %dma_start3A_74 = arith.constant 0 : i32
    %dma_start3A_75 = tpu.memref_slice %arg4[%add3A_71, %dma_start3A_74] : memref<4096x1024xf32, #tpu.memory_space<hbm>> -> memref<32x1024xf32, #tpu.memory_space<hbm>>
    tpu.enqueue_dma source(%arg6 : memref<32x1024xf32, #tpu.memory_space<vmem>>) target(%dma_start3A_75 : memref<32x1024xf32, #tpu.memory_space<hbm>>) target_semaphore(%arg10 : memref<!tpu.dma_semaphore, #tpu.memory_space<semaphore_mem>>)
    %dma_wait3A_76 = arith.constant 3 : i32
    %dma_wait3A_77 = arith.constant 0 : i32
    %dma_wait3A_78 = tpu.memref_slice %arg5[%dma_wait3A_76, %dma_wait3A_77] : memref<4x32xi32, #tpu.memory_space<vmem>> -> memref<1x32xi32, #tpu.memory_space<vmem>>
    %dma_wait3A_79 = tpu.memref_squeeze %dma_wait3A_78 : memref<1x32xi32, #tpu.memory_space<vmem>> -> memref<32xi32, #tpu.memory_space<vmem>>
    %dma_wait3A_80 = arith.constant 0 : i32
    %dma_wait3A_81 = arith.constant 0 : i32
    %dma_wait3A_82 = tpu.memref_slice %arg2[%dma_wait3A_80, %dma_wait3A_81] : memref<6144x1024xf32, #tpu.memory_space<hbm>> -> memref<6144x1024xf32, #tpu.memory_space<hbm>>
    tpu.wait_indirect_dma semaphore(%arg9 : memref<!tpu.dma_semaphore, #tpu.memory_space<semaphore_mem>>) src(%dma_wait3A_82 : memref<6144x1024xf32, #tpu.memory_space<hbm>>) dst(%arg7 : memref<32x1024xf32, #tpu.memory_space<vmem>>)
    %add3A_83 = arith.constant 96 : i32
    %add3A_84 = arith.addi %mul3A_2, %add3A_83 : i32
    %dma_start3A_85 = arith.constant 0 : i32
    %dma_start3A_86 = tpu.memref_slice %arg4[%add3A_84, %dma_start3A_85] : memref<4096x1024xf32, #tpu.memory_space<hbm>> -> memref<32x1024xf32, #tpu.memory_space<hbm>>
    %dma_start3A_87 = arith.constant 0 : i32
    %dma_start3A_88 = tpu.memref_slice %arg4[%add3A_84, %dma_start3A_87] : memref<4096x1024xf32, #tpu.memory_space<hbm>> -> memref<32x1024xf32, #tpu.memory_space<hbm>>
    tpu.enqueue_dma source(%arg7 : memref<32x1024xf32, #tpu.memory_space<vmem>>) target(%dma_start3A_88 : memref<32x1024xf32, #tpu.memory_space<hbm>>) target_semaphore(%arg11 : memref<!tpu.dma_semaphore, #tpu.memory_space<semaphore_mem>>)
    %dma_wait3A_89 = arith.constant 0 : i32
    %dma_wait3A_90 = tpu.memref_slice %arg4[%add3A_71, %dma_wait3A_89] : memref<4096x1024xf32, #tpu.memory_space<hbm>> -> memref<32x1024xf32, #tpu.memory_space<hbm>>
    %dma_wait3A_91 = arith.constant 0 : i32
    %dma_wait3A_92 = tpu.memref_slice %arg4[%add3A_71, %dma_wait3A_91] : memref<4096x1024xf32, #tpu.memory_space<hbm>> -> memref<32x1024xf32, #tpu.memory_space<hbm>>
    tpu.wait_dma2 semaphore(%arg10 : memref<!tpu.dma_semaphore, #tpu.memory_space<semaphore_mem>>) src(%arg6 : memref<32x1024xf32, #tpu.memory_space<vmem>>) dst(%dma_wait3A_92 : memref<32x1024xf32, #tpu.memory_space<hbm>>)
    %dma_wait3A_93 = arith.constant 0 : i32
    %dma_wait3A_94 = tpu.memref_slice %arg4[%add3A_84, %dma_wait3A_93] : memref<4096x1024xf32, #tpu.memory_space<hbm>> -> memref<32x1024xf32, #tpu.memory_space<hbm>>
    %dma_wait3A_95 = arith.constant 0 : i32
    %dma_wait3A_96 = tpu.memref_slice %arg4[%add3A_84, %dma_wait3A_95] : memref<4096x1024xf32, #tpu.memory_space<hbm>> -> memref<32x1024xf32, #tpu.memory_space<hbm>>
    tpu.wait_dma2 semaphore(%arg11 : memref<!tpu.dma_semaphore, #tpu.memory_space<semaphore_mem>>) src(%arg7 : memref<32x1024xf32, #tpu.memory_space<vmem>>) dst(%dma_wait3A_96 : memref<32x1024xf32, #tpu.memory_space<hbm>>)
    return
  }
}

#map = affine_map<(d0, d1) -> (0, 0)>
#map1 = affine_map<(d0, d1) -> (0)>
#map2 = affine_map<(d0, d1) -> (0, 0, 0)>
module attributes {stable_mosaic.version = 14 : i64} {
  func.func @_dispatch_body(%arg0: i32, %arg1: i32, %arg2: memref<4096x1024xf32, #tpu.memory_space<hbm>>, %arg3: memref<4096xi32, #tpu.memory_space<hbm>>, %arg4: memref<4096xi32, #tpu.memory_space<hbm>>, %arg5: memref<16xi32, #tpu.memory_space<hbm>>, %arg6: memref<6144x1024xf32, #tpu.memory_space<hbm>>, %arg7: memref<32x4x32xi32, #tpu.memory_space<hbm>>, %arg8: memref<16xi32, #tpu.memory_space<vmem>>, %arg9: memref<128xi32, #tpu.memory_space<vmem>>, %arg10: memref<128xi32, #tpu.memory_space<vmem>>, %arg11: memref<4x32xi32, #tpu.memory_space<vmem>>, %arg12: memref<32x1024xf32, #tpu.memory_space<vmem>>, %arg13: memref<32x1024xf32, #tpu.memory_space<vmem>>, %arg14: memref<!tpu.dma_semaphore, #tpu.memory_space<semaphore_mem>>, %arg15: memref<!tpu.dma_semaphore, #tpu.memory_space<semaphore_mem>>, %arg16: memref<!tpu.dma_semaphore, #tpu.memory_space<semaphore_mem>>, %arg17: memref<!tpu.dma_semaphore, #tpu.memory_space<semaphore_mem>>) attributes {dimension_semantics = [#tpu.dimension_semantics<core_parallel>, #tpu.dimension_semantics<subcore_parallel>], iteration_bounds = array<i64: 2, 16>, scalar_prefetch = 0 : i64, scratch_operands = 10 : i64, tpu.core_type = #tpu.core_type<sc_vector_subcore>, window_params = [{transform_indices = #map}, {transform_indices = #map1}, {transform_indices = #map1}, {transform_indices = #map1}, {transform_indices = #map}, {transform_indices = #map2}]} {
    %mul3A = arith.constant 2 : i32
    %mul3A_0 = arith.muli %arg1, %mul3A : i32
    %add3A = arith.addi %mul3A_0, %arg0 : i32
    %mul3A_1 = arith.constant 128 : i32
    %mul3A_2 = arith.muli %add3A, %mul3A_1 : i32
    %add3A_3 = arith.constant 0 : i32
    %add3A_4 = arith.addi %mul3A_2, %add3A_3 : i32
    %dma_start3A = arith.constant 0 : i32
    %dma_start3A_5 = tpu.memref_slice %arg2[%add3A_4, %dma_start3A] : memref<4096x1024xf32, #tpu.memory_space<hbm>> -> memref<32x1024xf32, #tpu.memory_space<hbm>>
    %dma_start3A_6 = arith.constant 0 : i32
    %dma_start3A_7 = tpu.memref_slice %arg2[%add3A_4, %dma_start3A_6] : memref<4096x1024xf32, #tpu.memory_space<hbm>> -> memref<32x1024xf32, #tpu.memory_space<hbm>>
    tpu.enqueue_dma source(%dma_start3A_7 : memref<32x1024xf32, #tpu.memory_space<hbm>>) target(%arg12 : memref<32x1024xf32, #tpu.memory_space<vmem>>) target_semaphore(%arg14 : memref<!tpu.dma_semaphore, #tpu.memory_space<semaphore_mem>>)
    %add3A_8 = arith.constant 32 : i32
    %add3A_9 = arith.addi %mul3A_2, %add3A_8 : i32
    %dma_start3A_10 = arith.constant 0 : i32
    %dma_start3A_11 = tpu.memref_slice %arg2[%add3A_9, %dma_start3A_10] : memref<4096x1024xf32, #tpu.memory_space<hbm>> -> memref<32x1024xf32, #tpu.memory_space<hbm>>
    %dma_start3A_12 = arith.constant 0 : i32
    %dma_start3A_13 = tpu.memref_slice %arg2[%add3A_9, %dma_start3A_12] : memref<4096x1024xf32, #tpu.memory_space<hbm>> -> memref<32x1024xf32, #tpu.memory_space<hbm>>
    tpu.enqueue_dma source(%dma_start3A_13 : memref<32x1024xf32, #tpu.memory_space<hbm>>) target(%arg13 : memref<32x1024xf32, #tpu.memory_space<vmem>>) target_semaphore(%arg15 : memref<!tpu.dma_semaphore, #tpu.memory_space<semaphore_mem>>)
    "tpu.region"() ({
      %run_scoped3A = tpu.sem_alloc : memref<!tpu.dma_semaphore, #tpu.memory_space<semaphore_mem>>
      tpu.enqueue_dma source(%arg5 : memref<16xi32, #tpu.memory_space<hbm>>) target(%arg8 : memref<16xi32, #tpu.memory_space<vmem>>) target_semaphore(%run_scoped3A : memref<!tpu.dma_semaphore, #tpu.memory_space<semaphore_mem>>)
      tpu.wait_dma2 semaphore(%run_scoped3A : memref<!tpu.dma_semaphore, #tpu.memory_space<semaphore_mem>>) src(%arg5 : memref<16xi32, #tpu.memory_space<hbm>>) dst(%arg8 : memref<16xi32, #tpu.memory_space<vmem>>)
      tpu.yield
    }) : () -> ()
    "tpu.region"() ({
      %run_scoped3A = tpu.sem_alloc : memref<!tpu.dma_semaphore, #tpu.memory_space<semaphore_mem>>
      %dma_start3A_174 = tpu.memref_slice %arg3[%mul3A_2] : memref<4096xi32, #tpu.memory_space<hbm>> -> memref<128xi32, #tpu.memory_space<hbm>>
      %dma_start3A_175 = tpu.memref_slice %arg3[%mul3A_2] : memref<4096xi32, #tpu.memory_space<hbm>> -> memref<128xi32, #tpu.memory_space<hbm>>
      tpu.enqueue_dma source(%dma_start3A_175 : memref<128xi32, #tpu.memory_space<hbm>>) target(%arg9 : memref<128xi32, #tpu.memory_space<vmem>>) target_semaphore(%run_scoped3A : memref<!tpu.dma_semaphore, #tpu.memory_space<semaphore_mem>>)
      %dma_wait3A_176 = tpu.memref_slice %arg3[%mul3A_2] : memref<4096xi32, #tpu.memory_space<hbm>> -> memref<128xi32, #tpu.memory_space<hbm>>
      %dma_wait3A_177 = tpu.memref_slice %arg3[%mul3A_2] : memref<4096xi32, #tpu.memory_space<hbm>> -> memref<128xi32, #tpu.memory_space<hbm>>
      tpu.wait_dma2 semaphore(%run_scoped3A : memref<!tpu.dma_semaphore, #tpu.memory_space<semaphore_mem>>) src(%dma_wait3A_177 : memref<128xi32, #tpu.memory_space<hbm>>) dst(%arg9 : memref<128xi32, #tpu.memory_space<vmem>>)
      tpu.yield
    }) : () -> ()
    "tpu.region"() ({
      %run_scoped3A = tpu.sem_alloc : memref<!tpu.dma_semaphore, #tpu.memory_space<semaphore_mem>>
      %dma_start3A_174 = tpu.memref_slice %arg4[%mul3A_2] : memref<4096xi32, #tpu.memory_space<hbm>> -> memref<128xi32, #tpu.memory_space<hbm>>
      %dma_start3A_175 = tpu.memref_slice %arg4[%mul3A_2] : memref<4096xi32, #tpu.memory_space<hbm>> -> memref<128xi32, #tpu.memory_space<hbm>>
      tpu.enqueue_dma source(%dma_start3A_175 : memref<128xi32, #tpu.memory_space<hbm>>) target(%arg10 : memref<128xi32, #tpu.memory_space<vmem>>) target_semaphore(%run_scoped3A : memref<!tpu.dma_semaphore, #tpu.memory_space<semaphore_mem>>)
      %dma_wait3A_176 = tpu.memref_slice %arg4[%mul3A_2] : memref<4096xi32, #tpu.memory_space<hbm>> -> memref<128xi32, #tpu.memory_space<hbm>>
      %dma_wait3A_177 = tpu.memref_slice %arg4[%mul3A_2] : memref<4096xi32, #tpu.memory_space<hbm>> -> memref<128xi32, #tpu.memory_space<hbm>>
      tpu.wait_dma2 semaphore(%run_scoped3A : memref<!tpu.dma_semaphore, #tpu.memory_space<semaphore_mem>>) src(%dma_wait3A_177 : memref<128xi32, #tpu.memory_space<hbm>>) dst(%arg10 : memref<128xi32, #tpu.memory_space<vmem>>)
      tpu.yield
    }) : () -> ()
    %get3A = arith.constant 0 : index
    %get3A_14 = tpu.vector_load %arg9[%get3A] {strides = array<i32>} : memref<128xi32, #tpu.memory_space<vmem>>, vector<16xi32>,
    %get3A_15 = arith.constant 0 : index
    %get3A_16 = tpu.vector_load %arg10[%get3A_15] {strides = array<i32>} : memref<128xi32, #tpu.memory_space<vmem>>, vector<16xi32>,
    %gather3A = tpu.vector_load_idx %arg8[%get3A_14] : memref<16xi32, #tpu.memory_space<vmem>>[vector<16xi32>], vector<16xi32>,
    %add3A_17 = arith.addi %gather3A, %get3A_16 : vector<16xi32>
    %swap3A = arith.constant 0 : i32
    %swap3A_18 = arith.index_cast %swap3A : i32 to index
    %swap3A_19 = arith.constant 0 : index
    %swap3A_20 = tpu.vector_load %arg11[%swap3A_18, %swap3A_19] {strides = array<i32>} : memref<4x32xi32, #tpu.memory_space<vmem>>, vector<16xi32>,
    tpu.vector_store %arg11[%swap3A_18, %swap3A_19], %add3A_17 {strides = array<i32>} : memref<4x32xi32, #tpu.memory_space<vmem>>, vector<16xi32>,
    %get3A_21 = arith.constant 16 : index
    %get3A_22 = tpu.vector_load %arg9[%get3A_21] {strides = array<i32>} : memref<128xi32, #tpu.memory_space<vmem>>, vector<16xi32>,
    %get3A_23 = arith.constant 16 : index
    %get3A_24 = tpu.vector_load %arg10[%get3A_23] {strides = array<i32>} : memref<128xi32, #tpu.memory_space<vmem>>, vector<16xi32>,
    %gather3A_25 = tpu.vector_load_idx %arg8[%get3A_22] : memref<16xi32, #tpu.memory_space<vmem>>[vector<16xi32>], vector<16xi32>,
    %add3A_26 = arith.addi %gather3A_25, %get3A_24 : vector<16xi32>
    %swap3A_27 = arith.constant 0 : i32
    %swap3A_28 = arith.index_cast %swap3A_27 : i32 to index
    %swap3A_29 = arith.constant 16 : index
    %swap3A_30 = tpu.vector_load %arg11[%swap3A_28, %swap3A_29] {strides = array<i32>} : memref<4x32xi32, #tpu.memory_space<vmem>>, vector<16xi32>,
    tpu.vector_store %arg11[%swap3A_28, %swap3A_29], %add3A_26 {strides = array<i32>} : memref<4x32xi32, #tpu.memory_space<vmem>>, vector<16xi32>,
    %get3A_31 = arith.constant 32 : index
    %get3A_32 = tpu.vector_load %arg9[%get3A_31] {strides = array<i32>} : memref<128xi32, #tpu.memory_space<vmem>>, vector<16xi32>,
    %get3A_33 = arith.constant 32 : index
    %get3A_34 = tpu.vector_load %arg10[%get3A_33] {strides = array<i32>} : memref<128xi32, #tpu.memory_space<vmem>>, vector<16xi32>,
    %gather3A_35 = tpu.vector_load_idx %arg8[%get3A_32] : memref<16xi32, #tpu.memory_space<vmem>>[vector<16xi32>], vector<16xi32>,
    %add3A_36 = arith.addi %gather3A_35, %get3A_34 : vector<16xi32>
    %swap3A_37 = arith.constant 1 : i32
    %swap3A_38 = arith.index_cast %swap3A_37 : i32 to index
    %swap3A_39 = arith.constant 0 : index
    %swap3A_40 = tpu.vector_load %arg11[%swap3A_38, %swap3A_39] {strides = array<i32>} : memref<4x32xi32, #tpu.memory_space<vmem>>, vector<16xi32>,
    tpu.vector_store %arg11[%swap3A_38, %swap3A_39], %add3A_36 {strides = array<i32>} : memref<4x32xi32, #tpu.memory_space<vmem>>, vector<16xi32>,
    %get3A_41 = arith.constant 48 : index
    %get3A_42 = tpu.vector_load %arg9[%get3A_41] {strides = array<i32>} : memref<128xi32, #tpu.memory_space<vmem>>, vector<16xi32>,
    %get3A_43 = arith.constant 48 : index
    %get3A_44 = tpu.vector_load %arg10[%get3A_43] {strides = array<i32>} : memref<128xi32, #tpu.memory_space<vmem>>, vector<16xi32>,
    %gather3A_45 = tpu.vector_load_idx %arg8[%get3A_42] : memref<16xi32, #tpu.memory_space<vmem>>[vector<16xi32>], vector<16xi32>,
    %add3A_46 = arith.addi %gather3A_45, %get3A_44 : vector<16xi32>
    %swap3A_47 = arith.constant 1 : i32
    %swap3A_48 = arith.index_cast %swap3A_47 : i32 to index
    %swap3A_49 = arith.constant 16 : index
    %swap3A_50 = tpu.vector_load %arg11[%swap3A_48, %swap3A_49] {strides = array<i32>} : memref<4x32xi32, #tpu.memory_space<vmem>>, vector<16xi32>,
    tpu.vector_store %arg11[%swap3A_48, %swap3A_49], %add3A_46 {strides = array<i32>} : memref<4x32xi32, #tpu.memory_space<vmem>>, vector<16xi32>,
    %get3A_51 = arith.constant 64 : index
    %get3A_52 = tpu.vector_load %arg9[%get3A_51] {strides = array<i32>} : memref<128xi32, #tpu.memory_space<vmem>>, vector<16xi32>,
    %get3A_53 = arith.constant 64 : index
    %get3A_54 = tpu.vector_load %arg10[%get3A_53] {strides = array<i32>} : memref<128xi32, #tpu.memory_space<vmem>>, vector<16xi32>,
    %gather3A_55 = tpu.vector_load_idx %arg8[%get3A_52] : memref<16xi32, #tpu.memory_space<vmem>>[vector<16xi32>], vector<16xi32>,
    %add3A_56 = arith.addi %gather3A_55, %get3A_54 : vector<16xi32>
    %swap3A_57 = arith.constant 2 : i32
    %swap3A_58 = arith.index_cast %swap3A_57 : i32 to index
    %swap3A_59 = arith.constant 0 : index
    %swap3A_60 = tpu.vector_load %arg11[%swap3A_58, %swap3A_59] {strides = array<i32>} : memref<4x32xi32, #tpu.memory_space<vmem>>, vector<16xi32>,
    tpu.vector_store %arg11[%swap3A_58, %swap3A_59], %add3A_56 {strides = array<i32>} : memref<4x32xi32, #tpu.memory_space<vmem>>, vector<16xi32>,
    %get3A_61 = arith.constant 80 : index
    %get3A_62 = tpu.vector_load %arg9[%get3A_61] {strides = array<i32>} : memref<128xi32, #tpu.memory_space<vmem>>, vector<16xi32>,
    %get3A_63 = arith.constant 80 : index
    %get3A_64 = tpu.vector_load %arg10[%get3A_63] {strides = array<i32>} : memref<128xi32, #tpu.memory_space<vmem>>, vector<16xi32>,
    %gather3A_65 = tpu.vector_load_idx %arg8[%get3A_62] : memref<16xi32, #tpu.memory_space<vmem>>[vector<16xi32>], vector<16xi32>,
    %add3A_66 = arith.addi %gather3A_65, %get3A_64 : vector<16xi32>
    %swap3A_67 = arith.constant 2 : i32
    %swap3A_68 = arith.index_cast %swap3A_67 : i32 to index
    %swap3A_69 = arith.constant 16 : index
    %swap3A_70 = tpu.vector_load %arg11[%swap3A_68, %swap3A_69] {strides = array<i32>} : memref<4x32xi32, #tpu.memory_space<vmem>>, vector<16xi32>,
    tpu.vector_store %arg11[%swap3A_68, %swap3A_69], %add3A_66 {strides = array<i32>} : memref<4x32xi32, #tpu.memory_space<vmem>>, vector<16xi32>,
    %get3A_71 = arith.constant 96 : index
    %get3A_72 = tpu.vector_load %arg9[%get3A_71] {strides = array<i32>} : memref<128xi32, #tpu.memory_space<vmem>>, vector<16xi32>,
    %get3A_73 = arith.constant 96 : index
    %get3A_74 = tpu.vector_load %arg10[%get3A_73] {strides = array<i32>} : memref<128xi32, #tpu.memory_space<vmem>>, vector<16xi32>,
    %gather3A_75 = tpu.vector_load_idx %arg8[%get3A_72] : memref<16xi32, #tpu.memory_space<vmem>>[vector<16xi32>], vector<16xi32>,
    %add3A_76 = arith.addi %gather3A_75, %get3A_74 : vector<16xi32>
    %swap3A_77 = arith.constant 3 : i32
    %swap3A_78 = arith.index_cast %swap3A_77 : i32 to index
    %swap3A_79 = arith.constant 0 : index
    %swap3A_80 = tpu.vector_load %arg11[%swap3A_78, %swap3A_79] {strides = array<i32>} : memref<4x32xi32, #tpu.memory_space<vmem>>, vector<16xi32>,
    tpu.vector_store %arg11[%swap3A_78, %swap3A_79], %add3A_76 {strides = array<i32>} : memref<4x32xi32, #tpu.memory_space<vmem>>, vector<16xi32>,
    %get3A_81 = arith.constant 112 : index
    %get3A_82 = tpu.vector_load %arg9[%get3A_81] {strides = array<i32>} : memref<128xi32, #tpu.memory_space<vmem>>, vector<16xi32>,
    %get3A_83 = arith.constant 112 : index
    %get3A_84 = tpu.vector_load %arg10[%get3A_83] {strides = array<i32>} : memref<128xi32, #tpu.memory_space<vmem>>, vector<16xi32>,
    %gather3A_85 = tpu.vector_load_idx %arg8[%get3A_82] : memref<16xi32, #tpu.memory_space<vmem>>[vector<16xi32>], vector<16xi32>,
    %add3A_86 = arith.addi %gather3A_85, %get3A_84 : vector<16xi32>
    %swap3A_87 = arith.constant 3 : i32
    %swap3A_88 = arith.index_cast %swap3A_87 : i32 to index
    %swap3A_89 = arith.constant 16 : index
    %swap3A_90 = tpu.vector_load %arg11[%swap3A_88, %swap3A_89] {strides = array<i32>} : memref<4x32xi32, #tpu.memory_space<vmem>>, vector<16xi32>,
    tpu.vector_store %arg11[%swap3A_88, %swap3A_89], %add3A_86 {strides = array<i32>} : memref<4x32xi32, #tpu.memory_space<vmem>>, vector<16xi32>,
    "tpu.region"() ({
      %run_scoped3A = tpu.sem_alloc : memref<!tpu.dma_semaphore, #tpu.memory_space<semaphore_mem>>
      %dma_start3A_174 = arith.constant 0 : i32
      %dma_start3A_175 = arith.constant 0 : i32
      %dma_start3A_176 = tpu.memref_slice %arg7[%add3A, %dma_start3A_174, %dma_start3A_175] : memref<32x4x32xi32, #tpu.memory_space<hbm>> -> memref<1x4x32xi32, #tpu.memory_space<hbm>>
      %dma_start3A_177 = tpu.memref_squeeze %dma_start3A_176 : memref<1x4x32xi32, #tpu.memory_space<hbm>> -> memref<4x32xi32, #tpu.memory_space<hbm>>
      %dma_start3A_178 = arith.constant 0 : i32
      %dma_start3A_179 = arith.constant 0 : i32
      %dma_start3A_180 = tpu.memref_slice %arg7[%add3A, %dma_start3A_178, %dma_start3A_179] : memref<32x4x32xi32, #tpu.memory_space<hbm>> -> memref<1x4x32xi32, #tpu.memory_space<hbm>>
      %dma_start3A_181 = tpu.memref_squeeze %dma_start3A_180 : memref<1x4x32xi32, #tpu.memory_space<hbm>> -> memref<4x32xi32, #tpu.memory_space<hbm>>
      tpu.enqueue_dma source(%arg11 : memref<4x32xi32, #tpu.memory_space<vmem>>) target(%dma_start3A_181 : memref<4x32xi32, #tpu.memory_space<hbm>>) target_semaphore(%run_scoped3A : memref<!tpu.dma_semaphore, #tpu.memory_space<semaphore_mem>>)
      %dma_wait3A_182 = arith.constant 0 : i32
      %dma_wait3A_183 = arith.constant 0 : i32
      %dma_wait3A_184 = tpu.memref_slice %arg7[%add3A, %dma_wait3A_182, %dma_wait3A_183] : memref<32x4x32xi32, #tpu.memory_space<hbm>> -> memref<1x4x32xi32, #tpu.memory_space<hbm>>
      %dma_wait3A_185 = tpu.memref_squeeze %dma_wait3A_184 : memref<1x4x32xi32, #tpu.memory_space<hbm>> -> memref<4x32xi32, #tpu.memory_space<hbm>>
      %dma_wait3A_186 = arith.constant 0 : i32
      %dma_wait3A_187 = arith.constant 0 : i32
      %dma_wait3A_188 = tpu.memref_slice %arg7[%add3A, %dma_wait3A_186, %dma_wait3A_187] : memref<32x4x32xi32, #tpu.memory_space<hbm>> -> memref<1x4x32xi32, #tpu.memory_space<hbm>>
      %dma_wait3A_189 = tpu.memref_squeeze %dma_wait3A_188 : memref<1x4x32xi32, #tpu.memory_space<hbm>> -> memref<4x32xi32, #tpu.memory_space<hbm>>
      tpu.wait_dma2 semaphore(%run_scoped3A : memref<!tpu.dma_semaphore, #tpu.memory_space<semaphore_mem>>) src(%arg11 : memref<4x32xi32, #tpu.memory_space<vmem>>) dst(%dma_wait3A_189 : memref<4x32xi32, #tpu.memory_space<hbm>>)
      tpu.yield
    }) : () -> ()
    %dma_wait3A = arith.constant 0 : i32
    %dma_wait3A_91 = tpu.memref_slice %arg2[%add3A_4, %dma_wait3A] : memref<4096x1024xf32, #tpu.memory_space<hbm>> -> memref<32x1024xf32, #tpu.memory_space<hbm>>
    %dma_wait3A_92 = arith.constant 0 : i32
    %dma_wait3A_93 = tpu.memref_slice %arg2[%add3A_4, %dma_wait3A_92] : memref<4096x1024xf32, #tpu.memory_space<hbm>> -> memref<32x1024xf32, #tpu.memory_space<hbm>>
    tpu.wait_dma2 semaphore(%arg14 : memref<!tpu.dma_semaphore, #tpu.memory_space<semaphore_mem>>) src(%dma_wait3A_93 : memref<32x1024xf32, #tpu.memory_space<hbm>>) dst(%arg12 : memref<32x1024xf32, #tpu.memory_space<vmem>>)
    %dma_start3A_94 = arith.constant 0 : i32
    %dma_start3A_95 = arith.constant 0 : i32
    %dma_start3A_96 = tpu.memref_slice %arg11[%dma_start3A_94, %dma_start3A_95] : memref<4x32xi32, #tpu.memory_space<vmem>> -> memref<1x32xi32, #tpu.memory_space<vmem>>
    %dma_start3A_97 = tpu.memref_squeeze %dma_start3A_96 : memref<1x32xi32, #tpu.memory_space<vmem>> -> memref<32xi32, #tpu.memory_space<vmem>>
    %dma_start3A_98 = arith.constant 0 : i32
    %dma_start3A_99 = arith.constant 0 : i32
    %dma_start3A_100 = tpu.memref_slice %arg6[%dma_start3A_98, %dma_start3A_99] : memref<6144x1024xf32, #tpu.memory_space<hbm>> -> memref<6144x1024xf32, #tpu.memory_space<hbm>>
    tpu.enqueue_indirect_dma source(%arg12 : memref<32x1024xf32, #tpu.memory_space<vmem>>) target(%dma_start3A_100 : memref<6144x1024xf32, #tpu.memory_space<hbm>>) offsets(%dma_start3A_97 : memref<32xi32, #tpu.memory_space<vmem>>) semaphore(%arg16 : memref<!tpu.dma_semaphore, #tpu.memory_space<semaphore_mem>>)
    %dma_wait3A_101 = arith.constant 0 : i32
    %dma_wait3A_102 = arith.constant 0 : i32
    %dma_wait3A_103 = tpu.memref_slice %arg11[%dma_wait3A_101, %dma_wait3A_102] : memref<4x32xi32, #tpu.memory_space<vmem>> -> memref<1x32xi32, #tpu.memory_space<vmem>>
    %dma_wait3A_104 = tpu.memref_squeeze %dma_wait3A_103 : memref<1x32xi32, #tpu.memory_space<vmem>> -> memref<32xi32, #tpu.memory_space<vmem>>
    %dma_wait3A_105 = arith.constant 0 : i32
    %dma_wait3A_106 = arith.constant 0 : i32
    %dma_wait3A_107 = tpu.memref_slice %arg6[%dma_wait3A_105, %dma_wait3A_106] : memref<6144x1024xf32, #tpu.memory_space<hbm>> -> memref<6144x1024xf32, #tpu.memory_space<hbm>>
    tpu.wait_indirect_dma semaphore(%arg16 : memref<!tpu.dma_semaphore, #tpu.memory_space<semaphore_mem>>) src(%arg12 : memref<32x1024xf32, #tpu.memory_space<vmem>>) dst(%dma_wait3A_107 : memref<6144x1024xf32, #tpu.memory_space<hbm>>)
    %add3A_108 = arith.constant 64 : i32
    %add3A_109 = arith.addi %mul3A_2, %add3A_108 : i32
    %dma_start3A_110 = arith.constant 0 : i32
    %dma_start3A_111 = tpu.memref_slice %arg2[%add3A_109, %dma_start3A_110] : memref<4096x1024xf32, #tpu.memory_space<hbm>> -> memref<32x1024xf32, #tpu.memory_space<hbm>>
    %dma_start3A_112 = arith.constant 0 : i32
    %dma_start3A_113 = tpu.memref_slice %arg2[%add3A_109, %dma_start3A_112] : memref<4096x1024xf32, #tpu.memory_space<hbm>> -> memref<32x1024xf32, #tpu.memory_space<hbm>>
    tpu.enqueue_dma source(%dma_start3A_113 : memref<32x1024xf32, #tpu.memory_space<hbm>>) target(%arg12 : memref<32x1024xf32, #tpu.memory_space<vmem>>) target_semaphore(%arg14 : memref<!tpu.dma_semaphore, #tpu.memory_space<semaphore_mem>>)
    %dma_wait3A_114 = arith.constant 0 : i32
    %dma_wait3A_115 = tpu.memref_slice %arg2[%add3A_9, %dma_wait3A_114] : memref<4096x1024xf32, #tpu.memory_space<hbm>> -> memref<32x1024xf32, #tpu.memory_space<hbm>>
    %dma_wait3A_116 = arith.constant 0 : i32
    %dma_wait3A_117 = tpu.memref_slice %arg2[%add3A_9, %dma_wait3A_116] : memref<4096x1024xf32, #tpu.memory_space<hbm>> -> memref<32x1024xf32, #tpu.memory_space<hbm>>
    tpu.wait_dma2 semaphore(%arg15 : memref<!tpu.dma_semaphore, #tpu.memory_space<semaphore_mem>>) src(%dma_wait3A_117 : memref<32x1024xf32, #tpu.memory_space<hbm>>) dst(%arg13 : memref<32x1024xf32, #tpu.memory_space<vmem>>)
    %dma_start3A_118 = arith.constant 1 : i32
    %dma_start3A_119 = arith.constant 0 : i32
    %dma_start3A_120 = tpu.memref_slice %arg11[%dma_start3A_118, %dma_start3A_119] : memref<4x32xi32, #tpu.memory_space<vmem>> -> memref<1x32xi32, #tpu.memory_space<vmem>>
    %dma_start3A_121 = tpu.memref_squeeze %dma_start3A_120 : memref<1x32xi32, #tpu.memory_space<vmem>> -> memref<32xi32, #tpu.memory_space<vmem>>
    %dma_start3A_122 = arith.constant 0 : i32
    %dma_start3A_123 = arith.constant 0 : i32
    %dma_start3A_124 = tpu.memref_slice %arg6[%dma_start3A_122, %dma_start3A_123] : memref<6144x1024xf32, #tpu.memory_space<hbm>> -> memref<6144x1024xf32, #tpu.memory_space<hbm>>
    tpu.enqueue_indirect_dma source(%arg13 : memref<32x1024xf32, #tpu.memory_space<vmem>>) target(%dma_start3A_124 : memref<6144x1024xf32, #tpu.memory_space<hbm>>) offsets(%dma_start3A_121 : memref<32xi32, #tpu.memory_space<vmem>>) semaphore(%arg17 : memref<!tpu.dma_semaphore, #tpu.memory_space<semaphore_mem>>)
    %dma_wait3A_125 = arith.constant 1 : i32
    %dma_wait3A_126 = arith.constant 0 : i32
    %dma_wait3A_127 = tpu.memref_slice %arg11[%dma_wait3A_125, %dma_wait3A_126] : memref<4x32xi32, #tpu.memory_space<vmem>> -> memref<1x32xi32, #tpu.memory_space<vmem>>
    %dma_wait3A_128 = tpu.memref_squeeze %dma_wait3A_127 : memref<1x32xi32, #tpu.memory_space<vmem>> -> memref<32xi32, #tpu.memory_space<vmem>>
    %dma_wait3A_129 = arith.constant 0 : i32
    %dma_wait3A_130 = arith.constant 0 : i32
    %dma_wait3A_131 = tpu.memref_slice %arg6[%dma_wait3A_129, %dma_wait3A_130] : memref<6144x1024xf32, #tpu.memory_space<hbm>> -> memref<6144x1024xf32, #tpu.memory_space<hbm>>
    tpu.wait_indirect_dma semaphore(%arg17 : memref<!tpu.dma_semaphore, #tpu.memory_space<semaphore_mem>>) src(%arg13 : memref<32x1024xf32, #tpu.memory_space<vmem>>) dst(%dma_wait3A_131 : memref<6144x1024xf32, #tpu.memory_space<hbm>>)
    %add3A_132 = arith.constant 96 : i32
    %add3A_133 = arith.addi %mul3A_2, %add3A_132 : i32
    %dma_start3A_134 = arith.constant 0 : i32
    %dma_start3A_135 = tpu.memref_slice %arg2[%add3A_133, %dma_start3A_134] : memref<4096x1024xf32, #tpu.memory_space<hbm>> -> memref<32x1024xf32, #tpu.memory_space<hbm>>
    %dma_start3A_136 = arith.constant 0 : i32
    %dma_start3A_137 = tpu.memref_slice %arg2[%add3A_133, %dma_start3A_136] : memref<4096x1024xf32, #tpu.memory_space<hbm>> -> memref<32x1024xf32, #tpu.memory_space<hbm>>
    tpu.enqueue_dma source(%dma_start3A_137 : memref<32x1024xf32, #tpu.memory_space<hbm>>) target(%arg13 : memref<32x1024xf32, #tpu.memory_space<vmem>>) target_semaphore(%arg15 : memref<!tpu.dma_semaphore, #tpu.memory_space<semaphore_mem>>)
    %dma_wait3A_138 = arith.constant 0 : i32
    %dma_wait3A_139 = tpu.memref_slice %arg2[%add3A_109, %dma_wait3A_138] : memref<4096x1024xf32, #tpu.memory_space<hbm>> -> memref<32x1024xf32, #tpu.memory_space<hbm>>
    %dma_wait3A_140 = arith.constant 0 : i32
    %dma_wait3A_141 = tpu.memref_slice %arg2[%add3A_109, %dma_wait3A_140] : memref<4096x1024xf32, #tpu.memory_space<hbm>> -> memref<32x1024xf32, #tpu.memory_space<hbm>>
    tpu.wait_dma2 semaphore(%arg14 : memref<!tpu.dma_semaphore, #tpu.memory_space<semaphore_mem>>) src(%dma_wait3A_141 : memref<32x1024xf32, #tpu.memory_space<hbm>>) dst(%arg12 : memref<32x1024xf32, #tpu.memory_space<vmem>>)
    %dma_start3A_142 = arith.constant 2 : i32
    %dma_start3A_143 = arith.constant 0 : i32
    %dma_start3A_144 = tpu.memref_slice %arg11[%dma_start3A_142, %dma_start3A_143] : memref<4x32xi32, #tpu.memory_space<vmem>> -> memref<1x32xi32, #tpu.memory_space<vmem>>
    %dma_start3A_145 = tpu.memref_squeeze %dma_start3A_144 : memref<1x32xi32, #tpu.memory_space<vmem>> -> memref<32xi32, #tpu.memory_space<vmem>>
    %dma_start3A_146 = arith.constant 0 : i32
    %dma_start3A_147 = arith.constant 0 : i32
    %dma_start3A_148 = tpu.memref_slice %arg6[%dma_start3A_146, %dma_start3A_147] : memref<6144x1024xf32, #tpu.memory_space<hbm>> -> memref<6144x1024xf32, #tpu.memory_space<hbm>>
    tpu.enqueue_indirect_dma source(%arg12 : memref<32x1024xf32, #tpu.memory_space<vmem>>) target(%dma_start3A_148 : memref<6144x1024xf32, #tpu.memory_space<hbm>>) offsets(%dma_start3A_145 : memref<32xi32, #tpu.memory_space<vmem>>) semaphore(%arg16 : memref<!tpu.dma_semaphore, #tpu.memory_space<semaphore_mem>>)
    %dma_wait3A_149 = arith.constant 0 : i32
    %dma_wait3A_150 = tpu.memref_slice %arg2[%add3A_133, %dma_wait3A_149] : memref<4096x1024xf32, #tpu.memory_space<hbm>> -> memref<32x1024xf32, #tpu.memory_space<hbm>>
    %dma_wait3A_151 = arith.constant 0 : i32
    %dma_wait3A_152 = tpu.memref_slice %arg2[%add3A_133, %dma_wait3A_151] : memref<4096x1024xf32, #tpu.memory_space<hbm>> -> memref<32x1024xf32, #tpu.memory_space<hbm>>
    tpu.wait_dma2 semaphore(%arg15 : memref<!tpu.dma_semaphore, #tpu.memory_space<semaphore_mem>>) src(%dma_wait3A_152 : memref<32x1024xf32, #tpu.memory_space<hbm>>) dst(%arg13 : memref<32x1024xf32, #tpu.memory_space<vmem>>)
    %dma_start3A_153 = arith.constant 3 : i32
    %dma_start3A_154 = arith.constant 0 : i32
    %dma_start3A_155 = tpu.memref_slice %arg11[%dma_start3A_153, %dma_start3A_154] : memref<4x32xi32, #tpu.memory_space<vmem>> -> memref<1x32xi32, #tpu.memory_space<vmem>>
    %dma_start3A_156 = tpu.memref_squeeze %dma_start3A_155 : memref<1x32xi32, #tpu.memory_space<vmem>> -> memref<32xi32, #tpu.memory_space<vmem>>
    %dma_start3A_157 = arith.constant 0 : i32
    %dma_start3A_158 = arith.constant 0 : i32
    %dma_start3A_159 = tpu.memref_slice %arg6[%dma_start3A_157, %dma_start3A_158] : memref<6144x1024xf32, #tpu.memory_space<hbm>> -> memref<6144x1024xf32, #tpu.memory_space<hbm>>
    tpu.enqueue_indirect_dma source(%arg13 : memref<32x1024xf32, #tpu.memory_space<vmem>>) target(%dma_start3A_159 : memref<6144x1024xf32, #tpu.memory_space<hbm>>) offsets(%dma_start3A_156 : memref<32xi32, #tpu.memory_space<vmem>>) semaphore(%arg17 : memref<!tpu.dma_semaphore, #tpu.memory_space<semaphore_mem>>)
    %dma_wait3A_160 = arith.constant 2 : i32
    %dma_wait3A_161 = arith.constant 0 : i32
    %dma_wait3A_162 = tpu.memref_slice %arg11[%dma_wait3A_160, %dma_wait3A_161] : memref<4x32xi32, #tpu.memory_space<vmem>> -> memref<1x32xi32, #tpu.memory_space<vmem>>
    %dma_wait3A_163 = tpu.memref_squeeze %dma_wait3A_162 : memref<1x32xi32, #tpu.memory_space<vmem>> -> memref<32xi32, #tpu.memory_space<vmem>>
    %dma_wait3A_164 = arith.constant 0 : i32
    %dma_wait3A_165 = arith.constant 0 : i32
    %dma_wait3A_166 = tpu.memref_slice %arg6[%dma_wait3A_164, %dma_wait3A_165] : memref<6144x1024xf32, #tpu.memory_space<hbm>> -> memref<6144x1024xf32, #tpu.memory_space<hbm>>
    tpu.wait_indirect_dma semaphore(%arg16 : memref<!tpu.dma_semaphore, #tpu.memory_space<semaphore_mem>>) src(%arg12 : memref<32x1024xf32, #tpu.memory_space<vmem>>) dst(%dma_wait3A_166 : memref<6144x1024xf32, #tpu.memory_space<hbm>>)
    %dma_wait3A_167 = arith.constant 3 : i32
    %dma_wait3A_168 = arith.constant 0 : i32
    %dma_wait3A_169 = tpu.memref_slice %arg11[%dma_wait3A_167, %dma_wait3A_168] : memref<4x32xi32, #tpu.memory_space<vmem>> -> memref<1x32xi32, #tpu.memory_space<vmem>>
    %dma_wait3A_170 = tpu.memref_squeeze %dma_wait3A_169 : memref<1x32xi32, #tpu.memory_space<vmem>> -> memref<32xi32, #tpu.memory_space<vmem>>
    %dma_wait3A_171 = arith.constant 0 : i32
    %dma_wait3A_172 = arith.constant 0 : i32
    %dma_wait3A_173 = tpu.memref_slice %arg6[%dma_wait3A_171, %dma_wait3A_172] : memref<6144x1024xf32, #tpu.memory_space<hbm>> -> memref<6144x1024xf32, #tpu.memory_space<hbm>>
    tpu.wait_indirect_dma semaphore(%arg17 : memref<!tpu.dma_semaphore, #tpu.memory_space<semaphore_mem>>) src(%arg13 : memref<32x1024xf32, #tpu.memory_space<vmem>>) dst(%dma_wait3A_173 : memref<6144x1024xf32, #tpu.memory_space<hbm>>)
    return
  }
}

module attributes {stable_mosaic.version = 14 : i64} {
  func.func @_ffn_body_first(%arg0: i32, %arg1: memref<24xi32, #tpu.memory_space<smem>>, %arg2: memref<256x1024xf32, #tpu.memory_space<vmem>>, %arg3: memref<1x1024x128xf32, #tpu.memory_space<vmem>>, %arg4: memref<1x1024x2048xf32, #tpu.memory_space<vmem>>, %arg5: memref<1x128x2048xf32, #tpu.memory_space<vmem>>, %arg6: memref<1x2048x1024xf32, #tpu.memory_space<vmem>>, %arg7: memref<256x1024xf32, #tpu.memory_space<vmem>>) attributes {dimension_semantics = [#tpu.dimension_semantics<arbitrary>], iteration_bounds = array<i64: -9223372036854775808>, scalar_prefetch = 1 : i64, scratch_operands = 0 : i64, tpu.core_type = #tpu.core_type<tc>, window_params = [{transform_indices = @transform_0, window_bounds = array<i64: 256, 1024>}, {transform_indices = @transform_1, window_bounds = array<i64: 1, 1024, 128>}, {transform_indices = @transform_2, window_bounds = array<i64: 1, 1024, 2048>}, {transform_indices = @transform_3, window_bounds = array<i64: 1, 128, 2048>}, {transform_indices = @transform_4, window_bounds = array<i64: 1, 2048, 1024>}, {transform_indices = @transform_5, window_bounds = array<i64: 256, 1024>}]} {
    %get3A = arith.constant 0 : index
    %get3A_0 = arith.constant 0 : index
    %get3A_1 = vector.load %arg2[%get3A, %get3A_0] : memref<256x1024xf32, #tpu.memory_space<vmem>>, vector<256x1024xf32>
    %get3A_2 = arith.constant 0 : index
    %get3A_3 = arith.constant 0 : index
    %get3A_4 = arith.constant 0 : index
    %get3A_5 = vector.load %arg3[%get3A_2, %get3A_3, %get3A_4] : memref<1x1024x128xf32, #tpu.memory_space<vmem>>, vector<1x1024x128xf32>
    %get3A_6 = vector.shape_cast %get3A_5 : vector<1x1024x128xf32> to vector<1024x128xf32>
    %dot_general3A = arith.constant dense<0.000000e+00> : vector<256x128xf32>
    %dot_general3A_7 = tpu.matmul %get3A_1, %get3A_6, %dot_general3A {dimension_numbers = #tpu.dot_dimension_numbers<[1], [0], [0], [1], [0, 0, 1, 1], [], []>, transpose_lhs_hint = false} : vector<256x1024xf32>, vector<1024x128xf32>, vector<256x128xf32> -> vector<256x128xf32>
    %get3A_8 = arith.constant 0 : index
    %get3A_9 = arith.constant 0 : index
    %get3A_10 = arith.constant 0 : index
    %get3A_11 = vector.load %arg4[%get3A_8, %get3A_9, %get3A_10] : memref<1x1024x2048xf32, #tpu.memory_space<vmem>>, vector<1x1024x2048xf32>
    %get3A_12 = vector.shape_cast %get3A_11 : vector<1x1024x2048xf32> to vector<1024x2048xf32>
    %dot_general3A_13 = arith.constant dense<0.000000e+00> : vector<256x2048xf32>
    %dot_general3A_14 = tpu.matmul %get3A_1, %get3A_12, %dot_general3A_13 {dimension_numbers = #tpu.dot_dimension_numbers<[1], [0], [0], [1], [0, 0, 1, 1], [], []>, transpose_lhs_hint = false} : vector<256x1024xf32>, vector<1024x2048xf32>, vector<256x2048xf32> -> vector<256x2048xf32>
    %get3A_15 = arith.constant 0 : index
    %get3A_16 = arith.constant 0 : index
    %get3A_17 = arith.constant 0 : index
    %get3A_18 = vector.load %arg5[%get3A_15, %get3A_16, %get3A_17] : memref<1x128x2048xf32, #tpu.memory_space<vmem>>, vector<1x128x2048xf32>
    %get3A_19 = vector.shape_cast %get3A_18 : vector<1x128x2048xf32> to vector<128x2048xf32>
    %dot_general3A_20 = arith.constant dense<0.000000e+00> : vector<256x2048xf32>
    %dot_general3A_21 = tpu.matmul %dot_general3A_7, %get3A_19, %dot_general3A_20 {dimension_numbers = #tpu.dot_dimension_numbers<[1], [0], [0], [1], [0, 0, 1, 1], [], []>, transpose_lhs_hint = false} : vector<256x128xf32>, vector<128x2048xf32>, vector<256x2048xf32> -> vector<256x2048xf32>
    %logistic3A = arith.negf %dot_general3A_21 : vector<256x2048xf32>
    %logistic3A_22 = math.exp %logistic3A : vector<256x2048xf32>
    %logistic3A_23 = arith.constant 1.000000e+00 : f32
    %logistic3A_24 = vector.broadcast %logistic3A_23 : f32 to vector<256x2048xf32>
    %logistic3A_25 = arith.addf %logistic3A_24, %logistic3A_22 : vector<256x2048xf32>
    %logistic3A_26 = arith.divf %logistic3A_24, %logistic3A_25 : vector<256x2048xf32>
    %mul3A = arith.mulf %dot_general3A_21, %logistic3A_26 : vector<256x2048xf32>
    %mul3A_27 = arith.mulf %dot_general3A_14, %mul3A : vector<256x2048xf32>
    %get3A_28 = arith.constant 0 : index
    %get3A_29 = arith.constant 0 : index
    %get3A_30 = arith.constant 0 : index
    %get3A_31 = vector.load %arg6[%get3A_28, %get3A_29, %get3A_30] : memref<1x2048x1024xf32, #tpu.memory_space<vmem>>, vector<1x2048x1024xf32>
    %get3A_32 = vector.shape_cast %get3A_31 : vector<1x2048x1024xf32> to vector<2048x1024xf32>
    %dot_general3A_33 = arith.constant dense<0.000000e+00> : vector<256x1024xf32>
    %dot_general3A_34 = tpu.matmul %mul3A_27, %get3A_32, %dot_general3A_33 {dimension_numbers = #tpu.dot_dimension_numbers<[1], [0], [0], [1], [0, 0, 1, 1], [], []>, transpose_lhs_hint = false} : vector<256x2048xf32>, vector<2048x1024xf32>, vector<256x1024xf32> -> vector<256x1024xf32>
    %swap3A = arith.constant 0 : index
    %swap3A_35 = arith.constant 0 : index
    %swap3A_36 = vector.load %arg7[%swap3A, %swap3A_35] : memref<256x1024xf32, #tpu.memory_space<vmem>>, vector<256x1024xf32>
    tpu.vector_store %arg7[%swap3A, %swap3A_35], %dot_general3A_34 {strides = array<i32>} : memref<256x1024xf32, #tpu.memory_space<vmem>>, vector<256x1024xf32>,
    return
  }
  func.func @transform_0(%arg0: i32, %arg1: memref<24xi32, #tpu.memory_space<smem>>) -> (i32, i32) {
    %c0_i32 = arith.constant 0 : i32
    %c0_i32_0 = arith.constant 0 : i32
    return %arg0, %c0_i32 : i32, i32
  }
  func.func @transform_1(%arg0: i32, %arg1: memref<24xi32, #tpu.memory_space<smem>>) -> (i32, i32, i32) {
    %get3A = arith.index_cast %arg0 : i32 to index
    %get3A_0 = memref.load %arg1[%get3A] : memref<24xi32, #tpu.memory_space<smem>>
    %c0_i32 = arith.constant 0 : i32
    %c0_i32_1 = arith.constant 0 : i32
    %c0_i32_2 = arith.constant 0 : i32
    return %get3A_0, %c0_i32, %c0_i32_1 : i32, i32, i32
  }
  func.func @transform_2(%arg0: i32, %arg1: memref<24xi32, #tpu.memory_space<smem>>) -> (i32, i32, i32) {
    %get3A = arith.index_cast %arg0 : i32 to index
    %get3A_0 = memref.load %arg1[%get3A] : memref<24xi32, #tpu.memory_space<smem>>
    %c0_i32 = arith.constant 0 : i32
    %c0_i32_1 = arith.constant 0 : i32
    %c0_i32_2 = arith.constant 0 : i32
    return %get3A_0, %c0_i32, %c0_i32_1 : i32, i32, i32
  }
  func.func @transform_3(%arg0: i32, %arg1: memref<24xi32, #tpu.memory_space<smem>>) -> (i32, i32, i32) {
    %get3A = arith.index_cast %arg0 : i32 to index
    %get3A_0 = memref.load %arg1[%get3A] : memref<24xi32, #tpu.memory_space<smem>>
    %c0_i32 = arith.constant 0 : i32
    %c0_i32_1 = arith.constant 0 : i32
    %c0_i32_2 = arith.constant 0 : i32
    return %get3A_0, %c0_i32, %c0_i32_1 : i32, i32, i32
  }
  func.func @transform_4(%arg0: i32, %arg1: memref<24xi32, #tpu.memory_space<smem>>) -> (i32, i32, i32) {
    %get3A = arith.index_cast %arg0 : i32 to index
    %get3A_0 = memref.load %arg1[%get3A] : memref<24xi32, #tpu.memory_space<smem>>
    %c0_i32 = arith.constant 0 : i32
    %c0_i32_1 = arith.constant 0 : i32
    %c0_i32_2 = arith.constant 0 : i32
    return %get3A_0, %c0_i32, %c0_i32_1 : i32, i32, i32
  }
  func.func @transform_5(%arg0: i32, %arg1: memref<24xi32, #tpu.memory_space<smem>>) -> (i32, i32) {
    %c0_i32 = arith.constant 0 : i32
    %c0_i32_0 = arith.constant 0 : i32
    return %arg0, %c0_i32 : i32, i32
  }
}

module attributes {stable_mosaic.version = 14 : i64} {
  func.func @_routing_body(%arg0: i32, %arg1: memref<512x1024xf32, #tpu.memory_space<vmem>>, %arg2: memref<8x1024x128xf32, #tpu.memory_space<vmem>>, %arg3: memref<512x8xf32, #tpu.memory_space<vmem>>, %arg4: memref<1x1x512xi32, #tpu.memory_space<vmem>>, %arg5: memref<1x1x512xi32, #tpu.memory_space<vmem>>, %arg6: memref<1x8xi32, #tpu.memory_space<vmem>>, %arg7: memref<1x1xf32, #tpu.memory_space<vmem>>, %arg8: memref<1x16xi32, #tpu.memory_space<vmem>>, %arg9: memref<24x1xi32, #tpu.memory_space<vmem>>, %arg10: memref<1x8xf32, #tpu.memory_space<vmem>>, %arg11: memref<1x8xf32, #tpu.memory_space<vmem>>) attributes {dimension_semantics = [#tpu.dimension_semantics<arbitrary>], iteration_bounds = array<i64: 8>, scalar_prefetch = 0 : i64, scratch_operands = 2 : i64, tpu.core_type = #tpu.core_type<tc>, window_params = [{transform_indices = @transform_0, window_bounds = array<i64: 512, 1024>}, {pipeline_mode = #tpu.pipeline_mode<synchronous>, transform_indices = @transform_1, window_bounds = array<i64: 8, 1024, 128>}, {transform_indices = @transform_2, window_bounds = array<i64: 512, 8>}, {transform_indices = @transform_3, window_bounds = array<i64: 1, 1, 512>}, {transform_indices = @transform_4, window_bounds = array<i64: 1, 1, 512>}, {pipeline_mode = #tpu.pipeline_mode<synchronous>, transform_indices = @transform_5, window_bounds = array<i64: 1, 8>}, {pipeline_mode = #tpu.pipeline_mode<synchronous>, transform_indices = @transform_6, window_bounds = array<i64: 1, 1>}, {pipeline_mode = #tpu.pipeline_mode<synchronous>, transform_indices = @transform_7, window_bounds = array<i64: 1, 16>}, {pipeline_mode = #tpu.pipeline_mode<synchronous>, transform_indices = @transform_8, window_bounds = array<i64: 24, 1>}]} {
    %eq3A = arith.constant 0 : i32
    %eq3A_0 = arith.cmpi eq, %arg0, %eq3A : i32
    %convert_element_type3A = arith.extui %eq3A_0 : i1 to i32
    %cond3A = arith.constant 0 : i32
    %cond3A_1 = arith.cmpi ne, %convert_element_type3A, %cond3A : i32
    scf.if %cond3A_1 {
      %broadcast_in_dim3A_138 = arith.constant 0.000000e+00 : f32
      %broadcast_in_dim3A_139 = vector.broadcast %broadcast_in_dim3A_138 : f32 to vector<1x8xf32>
      %swap3A_140 = arith.constant 0 : index
      %swap3A_141 = arith.constant 0 : index
      %swap3A_142 = vector.load %arg10[%swap3A_140, %swap3A_141] : memref<1x8xf32, #tpu.memory_space<vmem>>, vector<1x8xf32>
      tpu.vector_store %arg10[%swap3A_140, %swap3A_141], %broadcast_in_dim3A_139 {strides = array<i32>} : memref<1x8xf32, #tpu.memory_space<vmem>>, vector<1x8xf32>,
      %broadcast_in_dim3A_143 = arith.constant 0.000000e+00 : f32
      %broadcast_in_dim3A_144 = vector.broadcast %broadcast_in_dim3A_143 : f32 to vector<1x8xf32>
      %swap3A_145 = arith.constant 0 : index
      %swap3A_146 = arith.constant 0 : index
      %swap3A_147 = vector.load %arg11[%swap3A_145, %swap3A_146] : memref<1x8xf32, #tpu.memory_space<vmem>>, vector<1x8xf32>
      tpu.vector_store %arg11[%swap3A_145, %swap3A_146], %broadcast_in_dim3A_144 {strides = array<i32>} : memref<1x8xf32, #tpu.memory_space<vmem>>, vector<1x8xf32>,
    } else {
    }
    %get3A = arith.constant 0 : index
    %get3A_2 = arith.constant 0 : index
    %get3A_3 = vector.load %arg1[%get3A, %get3A_2] : memref<512x1024xf32, #tpu.memory_space<vmem>>, vector<512x1024xf32>
    %get3A_4 = arith.constant 0 : index
    %get3A_5 = arith.constant 0 : index
    %get3A_6 = arith.constant 0 : index
    %get3A_7 = vector.load %arg2[%get3A_4, %get3A_5, %get3A_6] : memref<8x1024x128xf32, #tpu.memory_space<vmem>>, vector<8x1024x128xf32>
    %slice3A = vector.extract_strided_slice %get3A_7 {offsets = [0, 0, 0], sizes = [1, 1024, 128], strides = [1, 1, 1]} : vector<8x1024x128xf32> to vector<1x1024x128xf32>
    %squeeze3A = vector.shape_cast %slice3A : vector<1x1024x128xf32> to vector<1024x128xf32>
    %dot_general3A = arith.constant dense<0.000000e+00> : vector<512x128xf32>
    %dot_general3A_8 = tpu.matmul %get3A_3, %squeeze3A, %dot_general3A {dimension_numbers = #tpu.dot_dimension_numbers<[1], [0], [0], [1], [0, 0, 1, 1], [], []>, transpose_lhs_hint = false} : vector<512x1024xf32>, vector<1024x128xf32>, vector<512x128xf32> -> vector<512x128xf32>
    %mul3A = arith.mulf %dot_general3A_8, %dot_general3A_8 : vector<512x128xf32>
    %reduce_sum3A = arith.constant dense<0.000000e+00> : vector<512xf32>
    %reduce_sum3A_9 = vector.multi_reduction <add>, %mul3A, %reduce_sum3A [1] : vector<512x128xf32> to vector<512xf32>
    %broadcast_in_dim3A = vector.shape_cast %reduce_sum3A_9 : vector<512xf32> to vector<512x1xf32>
    %slice3A_10 = vector.extract_strided_slice %get3A_7 {offsets = [1, 0, 0], sizes = [1, 1024, 128], strides = [1, 1, 1]} : vector<8x1024x128xf32> to vector<1x1024x128xf32>
    %squeeze3A_11 = vector.shape_cast %slice3A_10 : vector<1x1024x128xf32> to vector<1024x128xf32>
    %dot_general3A_12 = arith.constant dense<0.000000e+00> : vector<512x128xf32>
    %dot_general3A_13 = tpu.matmul %get3A_3, %squeeze3A_11, %dot_general3A_12 {dimension_numbers = #tpu.dot_dimension_numbers<[1], [0], [0], [1], [0, 0, 1, 1], [], []>, transpose_lhs_hint = false} : vector<512x1024xf32>, vector<1024x128xf32>, vector<512x128xf32> -> vector<512x128xf32>
    %mul3A_14 = arith.mulf %dot_general3A_13, %dot_general3A_13 : vector<512x128xf32>
    %reduce_sum3A_15 = arith.constant dense<0.000000e+00> : vector<512xf32>
    %reduce_sum3A_16 = vector.multi_reduction <add>, %mul3A_14, %reduce_sum3A_15 [1] : vector<512x128xf32> to vector<512xf32>
    %broadcast_in_dim3A_17 = vector.shape_cast %reduce_sum3A_16 : vector<512xf32> to vector<512x1xf32>
    %slice3A_18 = vector.extract_strided_slice %get3A_7 {offsets = [2, 0, 0], sizes = [1, 1024, 128], strides = [1, 1, 1]} : vector<8x1024x128xf32> to vector<1x1024x128xf32>
    %squeeze3A_19 = vector.shape_cast %slice3A_18 : vector<1x1024x128xf32> to vector<1024x128xf32>
    %dot_general3A_20 = arith.constant dense<0.000000e+00> : vector<512x128xf32>
    %dot_general3A_21 = tpu.matmul %get3A_3, %squeeze3A_19, %dot_general3A_20 {dimension_numbers = #tpu.dot_dimension_numbers<[1], [0], [0], [1], [0, 0, 1, 1], [], []>, transpose_lhs_hint = false} : vector<512x1024xf32>, vector<1024x128xf32>, vector<512x128xf32> -> vector<512x128xf32>
    %mul3A_22 = arith.mulf %dot_general3A_21, %dot_general3A_21 : vector<512x128xf32>
    %reduce_sum3A_23 = arith.constant dense<0.000000e+00> : vector<512xf32>
    %reduce_sum3A_24 = vector.multi_reduction <add>, %mul3A_22, %reduce_sum3A_23 [1] : vector<512x128xf32> to vector<512xf32>
    %broadcast_in_dim3A_25 = vector.shape_cast %reduce_sum3A_24 : vector<512xf32> to vector<512x1xf32>
    %slice3A_26 = vector.extract_strided_slice %get3A_7 {offsets = [3, 0, 0], sizes = [1, 1024, 128], strides = [1, 1, 1]} : vector<8x1024x128xf32> to vector<1x1024x128xf32>
    %squeeze3A_27 = vector.shape_cast %slice3A_26 : vector<1x1024x128xf32> to vector<1024x128xf32>
    %dot_general3A_28 = arith.constant dense<0.000000e+00> : vector<512x128xf32>
    %dot_general3A_29 = tpu.matmul %get3A_3, %squeeze3A_27, %dot_general3A_28 {dimension_numbers = #tpu.dot_dimension_numbers<[1], [0], [0], [1], [0, 0, 1, 1], [], []>, transpose_lhs_hint = false} : vector<512x1024xf32>, vector<1024x128xf32>, vector<512x128xf32> -> vector<512x128xf32>
    %mul3A_30 = arith.mulf %dot_general3A_29, %dot_general3A_29 : vector<512x128xf32>
    %reduce_sum3A_31 = arith.constant dense<0.000000e+00> : vector<512xf32>
    %reduce_sum3A_32 = vector.multi_reduction <add>, %mul3A_30, %reduce_sum3A_31 [1] : vector<512x128xf32> to vector<512xf32>
    %broadcast_in_dim3A_33 = vector.shape_cast %reduce_sum3A_32 : vector<512xf32> to vector<512x1xf32>
    %slice3A_34 = vector.extract_strided_slice %get3A_7 {offsets = [4, 0, 0], sizes = [1, 1024, 128], strides = [1, 1, 1]} : vector<8x1024x128xf32> to vector<1x1024x128xf32>
    %squeeze3A_35 = vector.shape_cast %slice3A_34 : vector<1x1024x128xf32> to vector<1024x128xf32>
    %dot_general3A_36 = arith.constant dense<0.000000e+00> : vector<512x128xf32>
    %dot_general3A_37 = tpu.matmul %get3A_3, %squeeze3A_35, %dot_general3A_36 {dimension_numbers = #tpu.dot_dimension_numbers<[1], [0], [0], [1], [0, 0, 1, 1], [], []>, transpose_lhs_hint = false} : vector<512x1024xf32>, vector<1024x128xf32>, vector<512x128xf32> -> vector<512x128xf32>
    %mul3A_38 = arith.mulf %dot_general3A_37, %dot_general3A_37 : vector<512x128xf32>
    %reduce_sum3A_39 = arith.constant dense<0.000000e+00> : vector<512xf32>
    %reduce_sum3A_40 = vector.multi_reduction <add>, %mul3A_38, %reduce_sum3A_39 [1] : vector<512x128xf32> to vector<512xf32>
    %broadcast_in_dim3A_41 = vector.shape_cast %reduce_sum3A_40 : vector<512xf32> to vector<512x1xf32>
    %slice3A_42 = vector.extract_strided_slice %get3A_7 {offsets = [5, 0, 0], sizes = [1, 1024, 128], strides = [1, 1, 1]} : vector<8x1024x128xf32> to vector<1x1024x128xf32>
    %squeeze3A_43 = vector.shape_cast %slice3A_42 : vector<1x1024x128xf32> to vector<1024x128xf32>
    %dot_general3A_44 = arith.constant dense<0.000000e+00> : vector<512x128xf32>
    %dot_general3A_45 = tpu.matmul %get3A_3, %squeeze3A_43, %dot_general3A_44 {dimension_numbers = #tpu.dot_dimension_numbers<[1], [0], [0], [1], [0, 0, 1, 1], [], []>, transpose_lhs_hint = false} : vector<512x1024xf32>, vector<1024x128xf32>, vector<512x128xf32> -> vector<512x128xf32>
    %mul3A_46 = arith.mulf %dot_general3A_45, %dot_general3A_45 : vector<512x128xf32>
    %reduce_sum3A_47 = arith.constant dense<0.000000e+00> : vector<512xf32>
    %reduce_sum3A_48 = vector.multi_reduction <add>, %mul3A_46, %reduce_sum3A_47 [1] : vector<512x128xf32> to vector<512xf32>
    %broadcast_in_dim3A_49 = vector.shape_cast %reduce_sum3A_48 : vector<512xf32> to vector<512x1xf32>
    %slice3A_50 = vector.extract_strided_slice %get3A_7 {offsets = [6, 0, 0], sizes = [1, 1024, 128], strides = [1, 1, 1]} : vector<8x1024x128xf32> to vector<1x1024x128xf32>
    %squeeze3A_51 = vector.shape_cast %slice3A_50 : vector<1x1024x128xf32> to vector<1024x128xf32>
    %dot_general3A_52 = arith.constant dense<0.000000e+00> : vector<512x128xf32>
    %dot_general3A_53 = tpu.matmul %get3A_3, %squeeze3A_51, %dot_general3A_52 {dimension_numbers = #tpu.dot_dimension_numbers<[1], [0], [0], [1], [0, 0, 1, 1], [], []>, transpose_lhs_hint = false} : vector<512x1024xf32>, vector<1024x128xf32>, vector<512x128xf32> -> vector<512x128xf32>
    %mul3A_54 = arith.mulf %dot_general3A_53, %dot_general3A_53 : vector<512x128xf32>
    %reduce_sum3A_55 = arith.constant dense<0.000000e+00> : vector<512xf32>
    %reduce_sum3A_56 = vector.multi_reduction <add>, %mul3A_54, %reduce_sum3A_55 [1] : vector<512x128xf32> to vector<512xf32>
    %broadcast_in_dim3A_57 = vector.shape_cast %reduce_sum3A_56 : vector<512xf32> to vector<512x1xf32>
    %slice3A_58 = vector.extract_strided_slice %get3A_7 {offsets = [7, 0, 0], sizes = [1, 1024, 128], strides = [1, 1, 1]} : vector<8x1024x128xf32> to vector<1x1024x128xf32>
    %squeeze3A_59 = vector.shape_cast %slice3A_58 : vector<1x1024x128xf32> to vector<1024x128xf32>
    %dot_general3A_60 = arith.constant dense<0.000000e+00> : vector<512x128xf32>
    %dot_general3A_61 = tpu.matmul %get3A_3, %squeeze3A_59, %dot_general3A_60 {dimension_numbers = #tpu.dot_dimension_numbers<[1], [0], [0], [1], [0, 0, 1, 1], [], []>, transpose_lhs_hint = false} : vector<512x1024xf32>, vector<1024x128xf32>, vector<512x128xf32> -> vector<512x128xf32>
    %mul3A_62 = arith.mulf %dot_general3A_61, %dot_general3A_61 : vector<512x128xf32>
    %reduce_sum3A_63 = arith.constant dense<0.000000e+00> : vector<512xf32>
    %reduce_sum3A_64 = vector.multi_reduction <add>, %mul3A_62, %reduce_sum3A_63 [1] : vector<512x128xf32> to vector<512xf32>
    %broadcast_in_dim3A_65 = vector.shape_cast %reduce_sum3A_64 : vector<512xf32> to vector<512x1xf32>
    %concatenate3A = tpu.concatenate %broadcast_in_dim3A, %broadcast_in_dim3A_17, %broadcast_in_dim3A_25, %broadcast_in_dim3A_33, %broadcast_in_dim3A_41, %broadcast_in_dim3A_49, %broadcast_in_dim3A_57, %broadcast_in_dim3A_65 in 1 : vector<512x1xf32>, vector<512x1xf32>, vector<512x1xf32>, vector<512x1xf32>, vector<512x1xf32>, vector<512x1xf32>, vector<512x1xf32>, vector<512x1xf32> -> vector<512x8xf32>
    %sqrt3A = math.sqrt %concatenate3A : vector<512x8xf32>
    %swap3A = arith.constant 0 : index
    %swap3A_66 = arith.constant 0 : index
    %swap3A_67 = vector.load %arg3[%swap3A, %swap3A_66] : memref<512x8xf32, #tpu.memory_space<vmem>>, vector<512x8xf32>
    tpu.vector_store %arg3[%swap3A, %swap3A_66], %sqrt3A {strides = array<i32>} : memref<512x8xf32, #tpu.memory_space<vmem>>, vector<512x8xf32>,
    %reduce_max3A = arith.constant dense<0xFF800000> : vector<512xf32>
    %reduce_max3A_68 = vector.multi_reduction <maximumf>, %sqrt3A, %reduce_max3A [1] : vector<512x8xf32> to vector<512xf32>
    %broadcast_in_dim3A_69 = vector.shape_cast %reduce_max3A_68 : vector<512xf32> to vector<512x1xf32>
    %sub3A = vector.broadcast %broadcast_in_dim3A_69 : vector<512x1xf32> to vector<512x8xf32>
    %sub3A_70 = arith.subf %sqrt3A, %sub3A : vector<512x8xf32>
    %exp3A = math.exp %sub3A_70 : vector<512x8xf32>
    %reduce_sum3A_71 = arith.constant dense<0.000000e+00> : vector<512xf32>
    %reduce_sum3A_72 = vector.multi_reduction <add>, %exp3A, %reduce_sum3A_71 [1] : vector<512x8xf32> to vector<512xf32>
    %broadcast_in_dim3A_73 = vector.shape_cast %reduce_sum3A_72 : vector<512xf32> to vector<512x1xf32>
    %div3A = vector.broadcast %broadcast_in_dim3A_73 : vector<512x1xf32> to vector<512x8xf32>
    %div3A_74 = arith.divf %exp3A, %div3A : vector<512x8xf32>
    %iota3A = tpu.iota {dimensions = array<i32: 1>} : vector<512x8xi32>
    %reduce_max3A_75 = arith.constant dense<0xFF800000> : vector<512xf32>
    %reduce_max3A_76 = vector.multi_reduction <maximumf>, %div3A_74, %reduce_max3A_75 [1] : vector<512x8xf32> to vector<512xf32>
    %broadcast_in_dim3A_77 = vector.shape_cast %reduce_max3A_76 : vector<512xf32> to vector<512x1xf32>
    %eq3A_78 = vector.broadcast %broadcast_in_dim3A_77 : vector<512x1xf32> to vector<512x8xf32>
    %eq3A_79 = arith.cmpf oeq, %div3A_74, %eq3A_78 : vector<512x8xf32>
    %jit3A = arith.constant 8 : i32
    %broadcast_in_dim3A_80 = vector.broadcast %jit3A : i32 to vector<512x8xi32>
    %select_n3A = arith.select %eq3A_79, %iota3A, %broadcast_in_dim3A_80 : vector<512x8xi1>, vector<512x8xi32>
    %reduce_min3A = arith.constant dense<2147483647> : vector<512xi32>
    %reduce_min3A_81 = vector.multi_reduction <minsi>, %select_n3A, %reduce_min3A [1] : vector<512x8xi32> to vector<512xi32>
    %broadcast_in_dim3A_82 = vector.shape_cast %reduce_min3A_81 : vector<512xi32> to vector<512x1xi32>
    %eq3A_83 = vector.broadcast %broadcast_in_dim3A_82 : vector<512x1xi32> to vector<512x8xi32>
    %eq3A_84 = arith.cmpi eq, %iota3A, %eq3A_83 : vector<512x8xi32>
    %convert_element_type3A_85 = arith.extui %eq3A_84 : vector<512x8xi1> to vector<512x8xi32>
    %convert_element_type3A_86 = arith.sitofp %convert_element_type3A_85 : vector<512x8xi32> to vector<512x8xf32>
    %iota3A_87 = tpu.iota {dimensions = array<i32: 0>} : vector<512x512xi32>
    %iota3A_88 = tpu.iota {dimensions = array<i32: 1>} : vector<512x512xi32>
    %ge3A = arith.cmpi sge, %iota3A_87, %iota3A_88 : vector<512x512xi32>
    %convert_element_type3A_89 = arith.extui %ge3A : vector<512x512xi1> to vector<512x512xi32>
    %convert_element_type3A_90 = arith.sitofp %convert_element_type3A_89 : vector<512x512xi32> to vector<512x512xf32>
    %dot_general3A_91 = arith.constant dense<0.000000e+00> : vector<512x8xf32>
    %dot_general3A_92 = tpu.matmul %convert_element_type3A_90, %convert_element_type3A_86, %dot_general3A_91 {dimension_numbers = #tpu.dot_dimension_numbers<[1], [0], [0], [1], [0, 0, 1, 1], [], []>, transpose_lhs_hint = false} : vector<512x512xf32>, vector<512x8xf32>, vector<512x8xf32> -> vector<512x8xf32>
    %get3A_93 = arith.constant 0 : index
    %get3A_94 = arith.constant 0 : index
    %get3A_95 = vector.load %arg10[%get3A_93, %get3A_94] : memref<1x8xf32, #tpu.memory_space<vmem>>, vector<1x8xf32>
    %mul3A_96 = arith.mulf %convert_element_type3A_86, %dot_general3A_92 : vector<512x8xf32>
    %reduce_sum3A_97 = arith.constant dense<0.000000e+00> : vector<512xf32>
    %reduce_sum3A_98 = vector.multi_reduction <add>, %mul3A_96, %reduce_sum3A_97 [1] : vector<512x8xf32> to vector<512xf32>
    %sub3A_99 = arith.constant 1.000000e+00 : f32
    %sub3A_100 = vector.broadcast %sub3A_99 : f32 to vector<512xf32>
    %sub3A_101 = arith.subf %reduce_sum3A_98, %sub3A_100 : vector<512xf32>
    %mul3A_102 = vector.broadcast %get3A_95 : vector<1x8xf32> to vector<512x8xf32>
    %mul3A_103 = arith.mulf %convert_element_type3A_86, %mul3A_102 : vector<512x8xf32>
    %reduce_sum3A_104 = arith.constant dense<0.000000e+00> : vector<512xf32>
    %reduce_sum3A_105 = vector.multi_reduction <add>, %mul3A_103, %reduce_sum3A_104 [1] : vector<512x8xf32> to vector<512xf32>
    %add3A = arith.addf %sub3A_101, %reduce_sum3A_105 : vector<512xf32>
    %reshape3A = vector.shape_cast %reduce_min3A_81 : vector<512xi32> to vector<1x1x512xi32>
    %swap3A_106 = arith.constant 0 : index
    %swap3A_107 = arith.constant 0 : index
    %swap3A_108 = arith.constant 0 : index
    %swap3A_109 = vector.load %arg4[%swap3A_106, %swap3A_107, %swap3A_108] : memref<1x1x512xi32, #tpu.memory_space<vmem>>, vector<1x1x512xi32>
    tpu.vector_store %arg4[%swap3A_106, %swap3A_107, %swap3A_108], %reshape3A {strides = array<i32>} : memref<1x1x512xi32, #tpu.memory_space<vmem>>, vector<1x1x512xi32>,
    %convert_element_type3A_110 = arith.fptosi %add3A : vector<512xf32> to vector<512xi32>
    %reshape3A_111 = vector.shape_cast %convert_element_type3A_110 : vector<512xi32> to vector<1x1x512xi32>
    %swap3A_112 = arith.constant 0 : index
    %swap3A_113 = arith.constant 0 : index
    %swap3A_114 = arith.constant 0 : index
    %swap3A_115 = vector.load %arg5[%swap3A_112, %swap3A_113, %swap3A_114] : memref<1x1x512xi32, #tpu.memory_space<vmem>>, vector<1x1x512xi32>
    tpu.vector_store %arg5[%swap3A_112, %swap3A_113, %swap3A_114], %reshape3A_111 {strides = array<i32>} : memref<1x1x512xi32, #tpu.memory_space<vmem>>, vector<1x1x512xi32>,
    %reduce_sum3A_116 = arith.constant dense<0.000000e+00> : vector<8xf32>
    %reduce_sum3A_117 = vector.multi_reduction <add>, %convert_element_type3A_86, %reduce_sum3A_116 [0] : vector<512x8xf32> to vector<8xf32>
    %broadcast_in_dim3A_118 = vector.shape_cast %reduce_sum3A_117 : vector<8xf32> to vector<1x8xf32>
    %add3A_119 = arith.addf %get3A_95, %broadcast_in_dim3A_118 : vector<1x8xf32>
    %swap3A_120 = arith.constant 0 : index
    %swap3A_121 = arith.constant 0 : index
    %swap3A_122 = vector.load %arg10[%swap3A_120, %swap3A_121] : memref<1x8xf32, #tpu.memory_space<vmem>>, vector<1x8xf32>
    tpu.vector_store %arg10[%swap3A_120, %swap3A_121], %add3A_119 {strides = array<i32>} : memref<1x8xf32, #tpu.memory_space<vmem>>, vector<1x8xf32>,
    %get3A_123 = arith.constant 0 : index
    %get3A_124 = arith.constant 0 : index
    %get3A_125 = vector.load %arg11[%get3A_123, %get3A_124] : memref<1x8xf32, #tpu.memory_space<vmem>>, vector<1x8xf32>
    %reduce_sum3A_126 = arith.constant dense<0.000000e+00> : vector<8xf32>
    %reduce_sum3A_127 = vector.multi_reduction <add>, %div3A_74, %reduce_sum3A_126 [0] : vector<512x8xf32> to vector<8xf32>
    %broadcast_in_dim3A_128 = vector.shape_cast %reduce_sum3A_127 : vector<8xf32> to vector<1x8xf32>
    %add3A_129 = arith.addf %get3A_125, %broadcast_in_dim3A_128 : vector<1x8xf32>
    %swap3A_130 = arith.constant 0 : index
    %swap3A_131 = arith.constant 0 : index
    %swap3A_132 = vector.load %arg11[%swap3A_130, %swap3A_131] : memref<1x8xf32, #tpu.memory_space<vmem>>, vector<1x8xf32>
    tpu.vector_store %arg11[%swap3A_130, %swap3A_131], %add3A_129 {strides = array<i32>} : memref<1x8xf32, #tpu.memory_space<vmem>>, vector<1x8xf32>,
    %eq3A_133 = arith.constant 7 : i32
    %eq3A_134 = arith.cmpi eq, %arg0, %eq3A_133 : i32
    %convert_element_type3A_135 = arith.extui %eq3A_134 : i1 to i32
    %cond3A_136 = arith.constant 0 : i32
    %cond3A_137 = arith.cmpi ne, %convert_element_type3A_135, %cond3A_136 : i32
    scf.if %cond3A_137 {
      %get3A_138 = arith.constant 0 : index
      %get3A_139 = arith.constant 0 : index
      %get3A_140 = vector.load %arg10[%get3A_138, %get3A_139] : memref<1x8xf32, #tpu.memory_space<vmem>>, vector<1x8xf32>
      %convert_element_type3A_141 = arith.fptosi %get3A_140 : vector<1x8xf32> to vector<1x8xi32>
      %swap3A_142 = arith.constant 0 : index
      %swap3A_143 = arith.constant 0 : index
      %swap3A_144 = vector.load %arg6[%swap3A_142, %swap3A_143] : memref<1x8xi32, #tpu.memory_space<vmem>>, vector<1x8xi32>
      tpu.vector_store %arg6[%swap3A_142, %swap3A_143], %convert_element_type3A_141 {strides = array<i32>} : memref<1x8xi32, #tpu.memory_space<vmem>>, vector<1x8xi32>,
      %get3A_145 = arith.constant 0 : index
      %get3A_146 = arith.constant 0 : index
      %get3A_147 = vector.load %arg11[%get3A_145, %get3A_146] : memref<1x8xf32, #tpu.memory_space<vmem>>, vector<1x8xf32>
      %mul3A_148 = arith.mulf %get3A_140, %get3A_147 : vector<1x8xf32>
      %reduce_sum3A_149 = arith.constant dense<0.000000e+00> : vector<1xf32>
      %reduce_sum3A_150 = vector.multi_reduction <add>, %mul3A_148, %reduce_sum3A_149 [1] : vector<1x8xf32> to vector<1xf32>
      %broadcast_in_dim3A_151 = vector.shape_cast %reduce_sum3A_150 : vector<1xf32> to vector<1x1xf32>
      %mul3A_152 = arith.constant 4.76837158E-7 : f32
      %mul3A_153 = vector.broadcast %mul3A_152 : f32 to vector<1x1xf32>
      %mul3A_154 = arith.mulf %broadcast_in_dim3A_151, %mul3A_153 : vector<1x1xf32>
      %swap3A_155 = arith.constant 0 : index
      %swap3A_156 = arith.constant 0 : index
      %swap3A_157 = vector.load %arg7[%swap3A_155, %swap3A_156] : memref<1x1xf32, #tpu.memory_space<vmem>>, vector<1x1xf32>
      tpu.vector_store %arg7[%swap3A_155, %swap3A_156], %mul3A_154 {strides = array<i32>} : memref<1x1xf32, #tpu.memory_space<vmem>>, vector<1x1xf32>,
      %mul3A_158 = arith.constant 3.906250e-03 : f32
      %mul3A_159 = vector.broadcast %mul3A_158 : f32 to vector<1x8xf32>
      %mul3A_160 = arith.mulf %get3A_140, %mul3A_159 : vector<1x8xf32>
      %ceil3A = math.ceil %mul3A_160 : vector<1x8xf32>
      %mul3A_161 = arith.constant 2.560000e+02 : f32
      %mul3A_162 = vector.broadcast %mul3A_161 : f32 to vector<1x8xf32>
      %mul3A_163 = arith.mulf %ceil3A, %mul3A_162 : vector<1x8xf32>
      %iota3A_164 = tpu.iota {dimensions = array<i32: 0>} : vector<8x8xi32>
      %iota3A_165 = tpu.iota {dimensions = array<i32: 1>} : vector<8x8xi32>
      %le3A = arith.cmpi sle, %iota3A_164, %iota3A_165 : vector<8x8xi32>
      %convert_element_type3A_166 = arith.extui %le3A : vector<8x8xi1> to vector<8x8xi32>
      %convert_element_type3A_167 = arith.sitofp %convert_element_type3A_166 : vector<8x8xi32> to vector<8x8xf32>
      %dot_general3A_168 = arith.constant dense<0.000000e+00> : vector<1x8xf32>
      %dot_general3A_169 = tpu.matmul %mul3A_163, %convert_element_type3A_167, %dot_general3A_168 {dimension_numbers = #tpu.dot_dimension_numbers<[1], [0], [0], [1], [0, 0, 1, 1], [], []>, transpose_lhs_hint = false} : vector<1x8xf32>, vector<8x8xf32>, vector<1x8xf32> -> vector<1x8xf32>
      %sub3A_170 = arith.subf %dot_general3A_169, %mul3A_163 : vector<1x8xf32>
      %slice3A_171 = vector.extract_strided_slice %dot_general3A_169 {offsets = [0, 7], sizes = [1, 1], strides = [1, 1]} : vector<1x8xf32> to vector<1x1xf32>
      %mul3A_172 = arith.constant 3.906250e-03 : f32
      %mul3A_173 = vector.broadcast %mul3A_172 : f32 to vector<1x1xf32>
      %mul3A_174 = arith.mulf %slice3A_171, %mul3A_173 : vector<1x1xf32>
      %broadcast_in_dim3A_175 = arith.constant 0.000000e+00 : f32
      %broadcast_in_dim3A_176 = vector.broadcast %broadcast_in_dim3A_175 : f32 to vector<1x7xf32>
      %concatenate3A_177 = tpu.concatenate %sub3A_170, %mul3A_174, %broadcast_in_dim3A_176 in 1 : vector<1x8xf32>, vector<1x1xf32>, vector<1x7xf32> -> vector<1x16xf32>
      %convert_element_type3A_178 = arith.fptosi %concatenate3A_177 : vector<1x16xf32> to vector<1x16xi32>
      %swap3A_179 = arith.constant 0 : index
      %swap3A_180 = arith.constant 0 : index
      %swap3A_181 = vector.load %arg8[%swap3A_179, %swap3A_180] : memref<1x16xi32, #tpu.memory_space<vmem>>, vector<1x16xi32>
      tpu.vector_store %arg8[%swap3A_179, %swap3A_180], %convert_element_type3A_178 {strides = array<i32>} : memref<1x16xi32, #tpu.memory_space<vmem>>, vector<1x16xi32>,
      %iota3A_182 = tpu.iota {dimensions = array<i32: 0>} : vector<24x1xi32>
      %convert_element_type3A_183 = arith.sitofp %iota3A_182 : vector<24x1xi32> to vector<24x1xf32>
      %mul3A_184 = arith.constant 2.560000e+02 : f32
      %mul3A_185 = vector.broadcast %mul3A_184 : f32 to vector<24x1xf32>
      %mul3A_186 = arith.mulf %convert_element_type3A_183, %mul3A_185 : vector<24x1xf32>
      %le3A_187 = vector.broadcast %dot_general3A_169 : vector<1x8xf32> to vector<24x8xf32>
      %le3A_188 = vector.broadcast %mul3A_186 : vector<24x1xf32> to vector<24x8xf32>
      %le3A_189 = arith.cmpf ole, %le3A_187, %le3A_188 : vector<24x8xf32>
      %convert_element_type3A_190 = arith.extui %le3A_189 : vector<24x8xi1> to vector<24x8xi32>
      %convert_element_type3A_191 = arith.sitofp %convert_element_type3A_190 : vector<24x8xi32> to vector<24x8xf32>
      %reduce_sum3A_192 = arith.constant dense<0.000000e+00> : vector<24xf32>
      %reduce_sum3A_193 = vector.multi_reduction <add>, %convert_element_type3A_191, %reduce_sum3A_192 [1] : vector<24x8xf32> to vector<24xf32>
      %broadcast_in_dim3A_194 = vector.shape_cast %reduce_sum3A_193 : vector<24xf32> to vector<24x1xf32>
      %min3A = arith.constant 7.000000e+00 : f32
      %min3A_195 = vector.broadcast %min3A : f32 to vector<24x1xf32>
      %min3A_196 = arith.minimumf %broadcast_in_dim3A_194, %min3A_195 : vector<24x1xf32>
      %convert_element_type3A_197 = arith.fptosi %min3A_196 : vector<24x1xf32> to vector<24x1xi32>
      %swap3A_198 = arith.constant 0 : index
      %swap3A_199 = arith.constant 0 : index
      %swap3A_200 = vector.load %arg9[%swap3A_198, %swap3A_199] : memref<24x1xi32, #tpu.memory_space<vmem>>, vector<24x1xi32>
      tpu.vector_store %arg9[%swap3A_198, %swap3A_199], %convert_element_type3A_197 {strides = array<i32>} : memref<24x1xi32, #tpu.memory_space<vmem>>, vector<24x1xi32>,
    } else {
    }
    return
  }
  func.func @transform_0(%arg0: i32) -> (i32, i32) {
    %c0_i32 = arith.constant 0 : i32
    %c0_i32_0 = arith.constant 0 : i32
    return %arg0, %c0_i32 : i32, i32
  }
  func.func @transform_1(%arg0: i32) -> (i32, i32, i32) {
    %c0_i32 = arith.constant 0 : i32
    %c0_i32_0 = arith.constant 0 : i32
    %c0_i32_1 = arith.constant 0 : i32
    %c0_i32_2 = arith.constant 0 : i32
    return %c0_i32, %c0_i32_0, %c0_i32_1 : i32, i32, i32
  }
  func.func @transform_2(%arg0: i32) -> (i32, i32) {
    %c0_i32 = arith.constant 0 : i32
    %c0_i32_0 = arith.constant 0 : i32
    return %arg0, %c0_i32 : i32, i32
  }
  func.func @transform_3(%arg0: i32) -> (i32, i32, i32) {
    %c0_i32 = arith.constant 0 : i32
    %c0_i32_0 = arith.constant 0 : i32
    %c0_i32_1 = arith.constant 0 : i32
    return %arg0, %c0_i32, %c0_i32_0 : i32, i32, i32
  }
  func.func @transform_4(%arg0: i32) -> (i32, i32, i32) {
    %c0_i32 = arith.constant 0 : i32
    %c0_i32_0 = arith.constant 0 : i32
    %c0_i32_1 = arith.constant 0 : i32
    return %arg0, %c0_i32, %c0_i32_0 : i32, i32, i32
  }
  func.func @transform_5(%arg0: i32) -> (i32, i32) {
    %c0_i32 = arith.constant 0 : i32
    %c0_i32_0 = arith.constant 0 : i32
    %c0_i32_1 = arith.constant 0 : i32
    return %c0_i32, %c0_i32_0 : i32, i32
  }
  func.func @transform_6(%arg0: i32) -> (i32, i32) {
    %c0_i32 = arith.constant 0 : i32
    %c0_i32_0 = arith.constant 0 : i32
    %c0_i32_1 = arith.constant 0 : i32
    return %c0_i32, %c0_i32_0 : i32, i32
  }
  func.func @transform_7(%arg0: i32) -> (i32, i32) {
    %c0_i32 = arith.constant 0 : i32
    %c0_i32_0 = arith.constant 0 : i32
    %c0_i32_1 = arith.constant 0 : i32
    return %c0_i32, %c0_i32_0 : i32, i32
  }
  func.func @transform_8(%arg0: i32) -> (i32, i32) {
    %c0_i32 = arith.constant 0 : i32
    %c0_i32_0 = arith.constant 0 : i32
    %c0_i32_1 = arith.constant 0 : i32
    return %c0_i32, %c0_i32_0 : i32, i32
  }
}

module attributes {stable_mosaic.version = 14 : i64} {
  func.func @_ffn_body_second(%arg0: i32, %arg1: memref<24xi32, #tpu.memory_space<smem>>, %arg2: memref<256x1024xf32, #tpu.memory_space<vmem>>, %arg3: memref<1x1024x128xf32, #tpu.memory_space<vmem>>, %arg4: memref<1x1024x2048xf32, #tpu.memory_space<vmem>>, %arg5: memref<1x128x2048xf32, #tpu.memory_space<vmem>>, %arg6: memref<1x2048x1024xf32, #tpu.memory_space<vmem>>, %arg7: memref<256x1024xf32, #tpu.memory_space<vmem>>, %arg8: memref<256x1024xf32, #tpu.memory_space<vmem>>) attributes {dimension_semantics = [#tpu.dimension_semantics<arbitrary>], iteration_bounds = array<i64: -9223372036854775808>, scalar_prefetch = 1 : i64, scratch_operands = 0 : i64, tpu.core_type = #tpu.core_type<tc>, window_params = [{transform_indices = @transform_0, window_bounds = array<i64: 256, 1024>}, {transform_indices = @transform_1, window_bounds = array<i64: 1, 1024, 128>}, {transform_indices = @transform_2, window_bounds = array<i64: 1, 1024, 2048>}, {transform_indices = @transform_3, window_bounds = array<i64: 1, 128, 2048>}, {transform_indices = @transform_4, window_bounds = array<i64: 1, 2048, 1024>}, {transform_indices = @transform_5, window_bounds = array<i64: 256, 1024>}, {transform_indices = @transform_6, window_bounds = array<i64: 256, 1024>}]} {
    %get3A = arith.constant 0 : index
    %get3A_0 = arith.constant 0 : index
    %get3A_1 = vector.load %arg7[%get3A, %get3A_0] : memref<256x1024xf32, #tpu.memory_space<vmem>>, vector<256x1024xf32>
    %get3A_2 = arith.constant 0 : index
    %get3A_3 = arith.constant 0 : index
    %get3A_4 = vector.load %arg2[%get3A_2, %get3A_3] : memref<256x1024xf32, #tpu.memory_space<vmem>>, vector<256x1024xf32>
    %get3A_5 = arith.constant 0 : index
    %get3A_6 = arith.constant 0 : index
    %get3A_7 = arith.constant 0 : index
    %get3A_8 = vector.load %arg3[%get3A_5, %get3A_6, %get3A_7] : memref<1x1024x128xf32, #tpu.memory_space<vmem>>, vector<1x1024x128xf32>
    %get3A_9 = vector.shape_cast %get3A_8 : vector<1x1024x128xf32> to vector<1024x128xf32>
    %dot_general3A = arith.constant dense<0.000000e+00> : vector<256x128xf32>
    %dot_general3A_10 = tpu.matmul %get3A_4, %get3A_9, %dot_general3A {dimension_numbers = #tpu.dot_dimension_numbers<[1], [0], [0], [1], [0, 0, 1, 1], [], []>, transpose_lhs_hint = false} : vector<256x1024xf32>, vector<1024x128xf32>, vector<256x128xf32> -> vector<256x128xf32>
    %get3A_11 = arith.constant 0 : index
    %get3A_12 = arith.constant 0 : index
    %get3A_13 = arith.constant 0 : index
    %get3A_14 = vector.load %arg4[%get3A_11, %get3A_12, %get3A_13] : memref<1x1024x2048xf32, #tpu.memory_space<vmem>>, vector<1x1024x2048xf32>
    %get3A_15 = vector.shape_cast %get3A_14 : vector<1x1024x2048xf32> to vector<1024x2048xf32>
    %dot_general3A_16 = arith.constant dense<0.000000e+00> : vector<256x2048xf32>
    %dot_general3A_17 = tpu.matmul %get3A_4, %get3A_15, %dot_general3A_16 {dimension_numbers = #tpu.dot_dimension_numbers<[1], [0], [0], [1], [0, 0, 1, 1], [], []>, transpose_lhs_hint = false} : vector<256x1024xf32>, vector<1024x2048xf32>, vector<256x2048xf32> -> vector<256x2048xf32>
    %get3A_18 = arith.constant 0 : index
    %get3A_19 = arith.constant 0 : index
    %get3A_20 = arith.constant 0 : index
    %get3A_21 = vector.load %arg5[%get3A_18, %get3A_19, %get3A_20] : memref<1x128x2048xf32, #tpu.memory_space<vmem>>, vector<1x128x2048xf32>
    %get3A_22 = vector.shape_cast %get3A_21 : vector<1x128x2048xf32> to vector<128x2048xf32>
    %dot_general3A_23 = arith.constant dense<0.000000e+00> : vector<256x2048xf32>
    %dot_general3A_24 = tpu.matmul %dot_general3A_10, %get3A_22, %dot_general3A_23 {dimension_numbers = #tpu.dot_dimension_numbers<[1], [0], [0], [1], [0, 0, 1, 1], [], []>, transpose_lhs_hint = false} : vector<256x128xf32>, vector<128x2048xf32>, vector<256x2048xf32> -> vector<256x2048xf32>
    %logistic3A = arith.negf %dot_general3A_24 : vector<256x2048xf32>
    %logistic3A_25 = math.exp %logistic3A : vector<256x2048xf32>
    %logistic3A_26 = arith.constant 1.000000e+00 : f32
    %logistic3A_27 = vector.broadcast %logistic3A_26 : f32 to vector<256x2048xf32>
    %logistic3A_28 = arith.addf %logistic3A_27, %logistic3A_25 : vector<256x2048xf32>
    %logistic3A_29 = arith.divf %logistic3A_27, %logistic3A_28 : vector<256x2048xf32>
    %mul3A = arith.mulf %dot_general3A_24, %logistic3A_29 : vector<256x2048xf32>
    %mul3A_30 = arith.mulf %dot_general3A_17, %mul3A : vector<256x2048xf32>
    %get3A_31 = arith.constant 0 : index
    %get3A_32 = arith.constant 0 : index
    %get3A_33 = arith.constant 0 : index
    %get3A_34 = vector.load %arg6[%get3A_31, %get3A_32, %get3A_33] : memref<1x2048x1024xf32, #tpu.memory_space<vmem>>, vector<1x2048x1024xf32>
    %get3A_35 = vector.shape_cast %get3A_34 : vector<1x2048x1024xf32> to vector<2048x1024xf32>
    %dot_general3A_36 = arith.constant dense<0.000000e+00> : vector<256x1024xf32>
    %dot_general3A_37 = tpu.matmul %mul3A_30, %get3A_35, %dot_general3A_36 {dimension_numbers = #tpu.dot_dimension_numbers<[1], [0], [0], [1], [0, 0, 1, 1], [], []>, transpose_lhs_hint = false} : vector<256x2048xf32>, vector<2048x1024xf32>, vector<256x1024xf32> -> vector<256x1024xf32>
    %add3A = arith.addf %get3A_1, %dot_general3A_37 : vector<256x1024xf32>
    %swap3A = arith.constant 0 : index
    %swap3A_38 = arith.constant 0 : index
    %swap3A_39 = vector.load %arg8[%swap3A, %swap3A_38] : memref<256x1024xf32, #tpu.memory_space<vmem>>, vector<256x1024xf32>
    tpu.vector_store %arg8[%swap3A, %swap3A_38], %add3A {strides = array<i32>} : memref<256x1024xf32, #tpu.memory_space<vmem>>, vector<256x1024xf32>,
    return
  }
  func.func @transform_0(%arg0: i32, %arg1: memref<24xi32, #tpu.memory_space<smem>>) -> (i32, i32) {
    %c0_i32 = arith.constant 0 : i32
    %c0_i32_0 = arith.constant 0 : i32
    return %arg0, %c0_i32 : i32, i32
  }
  func.func @transform_1(%arg0: i32, %arg1: memref<24xi32, #tpu.memory_space<smem>>) -> (i32, i32, i32) {
    %get3A = arith.index_cast %arg0 : i32 to index
    %get3A_0 = memref.load %arg1[%get3A] : memref<24xi32, #tpu.memory_space<smem>>
    %c0_i32 = arith.constant 0 : i32
    %c0_i32_1 = arith.constant 0 : i32
    %c0_i32_2 = arith.constant 0 : i32
    return %get3A_0, %c0_i32, %c0_i32_1 : i32, i32, i32
  }
  func.func @transform_2(%arg0: i32, %arg1: memref<24xi32, #tpu.memory_space<smem>>) -> (i32, i32, i32) {
    %get3A = arith.index_cast %arg0 : i32 to index
    %get3A_0 = memref.load %arg1[%get3A] : memref<24xi32, #tpu.memory_space<smem>>
    %c0_i32 = arith.constant 0 : i32
    %c1_i32 = arith.constant 1 : i32
    %c0_i32_1 = arith.constant 0 : i32
    return %get3A_0, %c0_i32, %c1_i32 : i32, i32, i32
  }
  func.func @transform_3(%arg0: i32, %arg1: memref<24xi32, #tpu.memory_space<smem>>) -> (i32, i32, i32) {
    %get3A = arith.index_cast %arg0 : i32 to index
    %get3A_0 = memref.load %arg1[%get3A] : memref<24xi32, #tpu.memory_space<smem>>
    %c0_i32 = arith.constant 0 : i32
    %c1_i32 = arith.constant 1 : i32
    %c0_i32_1 = arith.constant 0 : i32
    return %get3A_0, %c0_i32, %c1_i32 : i32, i32, i32
  }
  func.func @transform_4(%arg0: i32, %arg1: memref<24xi32, #tpu.memory_space<smem>>) -> (i32, i32, i32) {
    %get3A = arith.index_cast %arg0 : i32 to index
    %get3A_0 = memref.load %arg1[%get3A] : memref<24xi32, #tpu.memory_space<smem>>
    %c1_i32 = arith.constant 1 : i32
    %c0_i32 = arith.constant 0 : i32
    %c0_i32_1 = arith.constant 0 : i32
    return %get3A_0, %c1_i32, %c0_i32 : i32, i32, i32
  }
  func.func @transform_5(%arg0: i32, %arg1: memref<24xi32, #tpu.memory_space<smem>>) -> (i32, i32) {
    %c0_i32 = arith.constant 0 : i32
    %c0_i32_0 = arith.constant 0 : i32
    return %arg0, %c0_i32 : i32, i32
  }
  func.func @transform_6(%arg0: i32, %arg1: memref<24xi32, #tpu.memory_space<smem>>) -> (i32, i32) {
    %c0_i32 = arith.constant 0 : i32
    %c0_i32_0 = arith.constant 0 : i32
    return %arg0, %c0_i32 : i32, i32
  }
}

</mosaic_0001>

<sc_bundles>
// kernel: kernel.10.cloned.1.call-start
scs
__scs_entry_jumppad:
0x0: {  	(pc) =	sbr.rel $0x88, $3  }
0x1: {  	(tag) =	ssettag $0x0;
	lr =	simm.s32 $0x1  }
0x2: {  	[smem:$0x3F9C] =	sst lr;
	_ =	strace $0xD0000000  }
0x3: {  	_ = 	snop  }
0x4: {  	_ = 	snop  }
0x5: {  	_ = 	snop  }
0x6: {  	_ = 	snop  }
0x7: {  	_ = 	snop  }
__scs_overlays_trampoline_lowered:
0x8: {  	[smem:$0x3FAB] =	sst s0  }
0x9: {  	[smem:$0x3FAC] =	sst s1  }
0xa: {  	[smem:$0x3FAD] =	sst s2  }
0xb: {  	[smem:$0x3FAE] =	sst s3  }
0xc: {  	[smem:$0x3FAF] =	sst s4  }
0xd: {  	[smem:$0x3FB0] =	sst s5  }
0xe: {  	[smem:$0x3FB1] =	sst s6  }
0xf: {  	[smem:$0x3FB2] =	sst s7  }
0x10: {  	[smem:$0x3FB3] =	sst s8  }
0x11: {  	[smem:$0x3FB4] =	sst s9;
	s0 =	simm.s32 @!p0 $0x0  }
0x12: {  	s1 =	sld [smem:$0x3F9A];
	s0 =	simm.s32 @p0 $0x1  }
0x13: {  	[smem:$0x3FB5] =	sst s0;
	s0 =	simm.s32 @!p1 $0x0  }
0x14: {  	s2 =	sld [smem:$0x3F99];
	s0 =	simm.s32 @p1 $0x1  }
0x15: {  	[smem:$0x3FB6] =	sst s0;
	s0 =	simm.s32 @!p2 $0x0  }
0x16: {  	s3 =	sld [smem:$0x3FDB];
	s0 =	simm.s32 @p2 $0x1  }
0x17: {  	s4 =	simm.s32 $0x1BF5;
	[smem:$0x3FB8] =	sst s0  }
0x18: {  	s0 =	sld [smem:$0x3F9B];
	_ =	swait.ge [sflag:s4], $0x0  }
0x19: {  	s7 =	sld [smem:$0x3F9C]  }
0x1a: {  	s8 =	sadd.s32 $0xFFFFE003, lr  }
0x1b: {  	s9 =	sadd.s32 $0xFFFFFEF7, lr;
	s5 =	simm.s32 $0xFFFFFFFF;
	p2 =	slt.u32 s8, $0xFFFFF086  }
0x1c: {  	p1 =	slt.u32 s9, $0xF7A;
	s5 =	simm.s32 @!p2 $0x0  }
0x1d: {  	s5 =	simm.s32 @p1 $0x1;
	p0 =	seq.s32 s7, s2  }
0x1e: {  	s7 =	smul.u32 @!p0 $0xF7A, s2;
	p2 =	seq.s32 @!p0 s5, $0x0  }
0x1f: {  	s9 =	smul.u32 $0xF7A, s1;
	s8 =	simm.s32 @!p0 $0x1BF5;
	p2 =	por !p2, p0  }
0x20: {  	[sflag:s8] =	ssyncset.s32 @!p0 $0xFFFFF086;
	s6 =	sadd.s32 @!p0 s3, s7;
	s7 =	simm.s32 @!p0 $0x108  }
0x21: {  	s3 =	sadd.s32 s3, s9;
	s6 =	sadd.s32 @!p0 $0x88, s6;
	s7 =	simm.s32 @p2 $0x1082  }
0x22: {  	[simem:s7], [sflag:s8] =	dma.local @!p0 [hbm:s6], $0xF7A  }
0x23: {  	s9 =	sor.u32 $0xD0000000, s2;
	s6 =	simm.s32 $0x108;
	_ =	swait.ge @!p0 [sflag:s8], $0x0  }
0x24: {  	s3 =	sadd.s32 $0x88, s3;
	s6 =	simm.s32 @!p1 $0x1082;
	[sflag:s4] =	ssyncset.s32 $0xFFFFF086  }
0x25: {  	[simem:s6], [sflag:s4] =	dma.local [hbm:s3], $0xF7A  }
0x26: {  	[smem:$0x3F9C] =	sst s1;
	(tag) =	ssettag s2;
	_ =	strace s9  }
0x27: {  	s1 =	sld [smem:$0x3FAC]  }
0x28: {  	s2 =	sld [smem:$0x3FAD]  }
0x29: {  	s4 =	sld [smem:$0x3FAF]  }
0x2a: {  	p0 =	seq.s32 s5, $0x0;
	s5 =	sld [smem:$0x3FB0]  }
0x2b: {  	s6 =	sld [smem:$0x3FB1]  }
0x2c: {  	s7 =	sld [smem:$0x3FB2]  }
0x2d: {  	s3 =	simm.s32 $0x108;
	s8 =	sld [smem:$0x3FB3]  }
0x2e: {  	s3 =	simm.s32 @!p0 $0x1082;
	s9 =	sld [smem:$0x3FB4]  }
0x2f: {  	lr =	sadd.s32 s0, s3;
	s0 =	sld [smem:$0x3FAB]  }
0x30: {  	s3 =	sld [smem:$0x3FAE]  }
0x31: {  	[smem:$0x3FB7] =	sst s10  }
0x32: {  	s10 =	sld [smem:$0x3FB5];
	_ =	sdelay $0x3  }
0x33: {  	p0 =	seq.s32 s10, $0x1;
	s10 =	sld [smem:$0x3FB7];
	_ =	sdelay $0x3  }
0x34: {  	[smem:$0x3FB7] =	sst s10  }
0x35: {  	s10 =	sld [smem:$0x3FB6];
	_ =	sdelay $0x3  }
0x36: {  	p1 =	seq.s32 s10, $0x1;
	s10 =	sld [smem:$0x3FB7];
	_ =	sdelay $0x3  }
0x37: {  	[smem:$0x3FB7] =	sst s10  }
0x38: {  	s10 =	sld [smem:$0x3FB8]  }
0x39: {  	_ = 	snop;
	(pc) =	sbr.ind lr, $3  }
0x3a: {  	_ = 	snop  }
0x3b: {  	_ = 	snop  }
0x3c: {  	p2 =	seq.s32 s10, $0x1;
	s10 =	sld [smem:$0x3FB7]  }
0x3d: {  	_ =	shalt  }
0x3e: {  	_ =	shalt  }
0x3f: {  	_ =	shalt  }
0x40: {  	_ =	shalt  }
0x41: {  	_ =	shalt  }
0x42: {  	_ =	shalt  }
0x43: {  	_ =	shalt  }
0x44: {  	_ =	shalt  }
0x45: {  	_ =	shalt  }
0x46: {  	_ =	shalt  }
0x47: {  	_ =	shalt  }
0x48: {  	_ =	shalt  }
0x49: {  	_ =	shalt  }
0x4a: {  	_ =	shalt  }
0x4b: {  	_ =	shalt  }
0x4c: {  	_ =	shalt  }
0x4d: {  	_ =	shalt  }
0x4e: {  	_ =	shalt  }
0x4f: {  	_ =	shalt  }
0x50: {  	_ =	shalt  }
0x51: {  	_ =	shalt  }
0x52: {  	_ =	shalt  }
0x53: {  	_ =	shalt  }
0x54: {  	_ =	shalt  }
0x55: {  	_ =	shalt  }
0x56: {  	_ =	shalt  }
0x57: {  	_ =	shalt  }
0x58: {  	_ =	shalt  }
0x59: {  	_ =	shalt  }
0x5a: {  	_ =	shalt  }
0x5b: {  	_ =	shalt  }
0x5c: {  	_ =	shalt  }
0x5d: {  	_ =	shalt  }
0x5e: {  	_ =	shalt  }
0x5f: {  	_ =	shalt  }
0x60: {  	_ =	shalt  }
0x61: {  	_ =	shalt  }
0x62: {  	_ =	shalt  }
0x63: {  	_ =	shalt  }
0x64: {  	_ =	shalt  }
0x65: {  	_ =	shalt  }
0x66: {  	_ =	shalt  }
0x67: {  	_ =	shalt  }
0x68: {  	_ =	shalt  }
0x69: {  	_ =	shalt  }
0x6a: {  	_ =	shalt  }
0x6b: {  	_ =	shalt  }
0x6c: {  	_ =	shalt  }
0x6d: {  	_ =	shalt  }
0x6e: {  	_ =	shalt  }
0x6f: {  	_ =	shalt  }
0x70: {  	_ =	shalt  }
0x71: {  	_ =	shalt  }
0x72: {  	_ =	shalt  }
0x73: {  	_ =	shalt  }
0x74: {  	_ =	shalt  }
0x75: {  	_ =	shalt  }
0x76: {  	_ =	shalt  }
0x77: {  	_ =	shalt  }
0x78: {  	_ =	shalt  }
0x79: {  	_ =	shalt  }
0x7a: {  	_ =	shalt  }
0x7b: {  	_ =	shalt  }
0x7c: {  	_ =	shalt  }
0x7d: {  	_ =	shalt  }
0x7e: {  	_ =	shalt  }
0x7f: {  	_ =	shalt  }
0x80: {  	_ =	shalt  }
0x81: {  	_ =	shalt  }
0x82: {  	_ =	shalt  }
0x83: {  	_ =	shalt  }
0x84: {  	_ =	shalt  }
0x85: {  	_ =	shalt  }
0x86: {  	_ =	shalt  }
0x87: {  	_ =	shalt  }
.Lfunc_end0:
.L_simem_size_0:
called_computation.1_lowered:
.L_overlay_start_0:
0x88: {  	s2 =	sld [smem:$0x3FD9]  }
0x89: {  	s3 =	sld [smem:$0x3FFE];
	_ =	sdelay $0x1  }
0x8a: {  	s1 =	srdreg.scid  }
0x8b: {  	s0 =	sand.u32 $0x1, s1  }
0x8c: {  	s14 =	sshll.u32 s0, $0xA;
	s2 =	sadd.s32 s3, s2  }
0x8d: {  	s2 =	sadd.s32 s2, s14  }
0x8e: {  	[smem:$0x3FC3] =	sst s2  }
0x8f: {  	_ = 	snop  }
0x90: {  	s2 =	sld [smem:$0x3FD0];
	_ =	sdelay $0x2  }
0x91: {  	s15 =	simm.s32 $0xA;
	s4 =	simm.s32 $0x10  }
0x92: {  	[smem:s4], [sflag:s15] =	dma.local [hbm:s2], $0x1  }
0x93: {  	_ =	swait.eq [sflag:s15], $0x1  }
0x94: {  	[sflag:s15] =	ssyncset.done $0x0  }
0x95: {  	[sflag:s15] =	ssyncadd.s32 $0xFFFFFFFF  }
0x96: {  	s16 =	sld [smem:$0x10];
	(tm) =	ssettm $0x1  }
0x97: {  	s17 =	sld [smem:$0x3FFB];
	_ =	sdelay $0x3  }
0x98: {  	_ =	strace s17  }
0x99: {  	s3 =	sld [smem:$0x3FFC];
	_ =	sdelay $0x3  }
0x9a: {  	_ =	strace s3  }
0x9b: {  	s3 =	sld [smem:$0x3FFD];
	_ =	sdelay $0x3  }
0x9c: {  	_ =	strace s3  }
0x9d: {  	_ =	strace $0x8FFFFFFF  }
0x9e: {  	s18 =	sld [smem:$0x3FDB];
	_ =	sdelay $0x1  }
0x9f: {  	s19 =	simm.s32 $_scs_section_size  }
0xa0: {  	s5 =	simm.s32 $_size__tile_overlayer_lowered;
	s6 =	simm.s32 $_tile_overlayer_lowered  }
0xa1: {  	s22 =	simm.s32 $0x1BFF;
	s21 =	sshll.u32 s6, $0x1;
	s3 =	sadd.s32 s19, s18  }
0xa2: {  	s7 =	simm.s32 $0x0;
	s20 =	sshll.u32 s5, $0x1;
	s5 =	sadd.s32 s21, s3  }
0xa3: {  	[timem:s7], [sflag:s22] =	dma.local [hbm:s5], s20  }
0xa4: {  	_ =	swait.ge [sflag:s22], s20  }
0xa5: {  	s4 =	ssub.s32 $0x0, s20;
	[sflag:s22] =	ssyncset.done $0x0  }
0xa6: {  	[sflag:s22] =	ssyncadd.s32 s4;
	_ =	sdelay $0x1  }
0xa7: {  	s23 =	simm.s32 $0x1B8B  }
0xa8: {  	_ =	swait.ge [sflag:s23], $0x1  }
0xa9: {  	[sflag:s23] =	ssyncset.done $0x0  }
0xaa: {  	s25 =	simm.s32 $0x1B8E;
	s24 =	sld [smem:$0x3FFE];
	[sflag:s23] =	ssyncadd.s32 $0xFFFFFFFF  }
0xab: {  	s26 =	simm.s32 $execute0_lowered;
	[smem:$0x3FD2] =	sst s25  }
0xac: {  	s5 =	sshll.u32 s26, $0x1;
	_ =	strace $0x80000049;
	[dreg:$0x1] =	wrdreg $0xFFFFFFFF  }
0xad: {  	s28 =	simm.s32 $_size_execute0_lowered;
	s3 =	sadd.s32 s3, s5;
	[dreg:$0x0] =	wrdreg $0x0  }
0xae: {  	s5 =	sshll.u32 s28, $0x1;
	[dreg:$0x2] =	wrdreg s3  }
0xaf: {  	[dreg:$0x3] =	wrdreg s5  }
0xb0: {  	[dreg:$0x4] =	wrdreg $0xC0  }
0xb1: {  	_ =	task [dreg:s7], $0x5FFFF  }
0xb2: {  	[dreg:$0x1] =	wrdreg $0xFFFFFFFF  }
0xb3: {  	[dreg:$0x0] =	wrdreg $0x60  }
0xb4: {  	[dreg:$0x2] =	wrdreg s24  }
0xb5: {  	[dreg:$0x3] =	wrdreg s16  }
0xb6: {  	[dreg:$0x4] =	wrdreg $0x9  }
0xb7: {  	_ =	task.clear_ibuf [dreg:s7], $0x5FFFF;
	_ =	strace $0x90000049  }
0xb8: {  	s29 =	simm.s32 $0x9;
	_ =	strace $0x8000004B  }
0xb9: {  	_ =	swait.ge [sflag:s29], $0x1  }
0xba: {  	[sflag:s29] =	ssyncadd.s32 $0xFFFFFFFF  }
0xbb: {  	_ =	strace $0x9000004B  }
0xbc: {  	_ =	sfence  }
0xbd: {  	s30 =	sld [smem:$0x0];
	_ =	sdelay $0x2  }
0xbe: {  	s31 =	sshll.u32 s1, $0xD;
	s1 =	sshrl.u32 s1, $0x2  }
0xbf: {  	s3 =	sand.u32 $0x4000, s31;
	s1 =	sadd.s32 s1, s30  }
0xc0: {  	s0 =	sor.u32 s3, s0;
	s1 =	sshll.u32 s1, $0x11  }
0xc1: {  	s0 =	sor.u32 s1, s0  }
0xc2: {  	s0 =	sadd.s32 $0x8F2B, s0  }
0xc3: {  	[sflag:s0] =	ssyncadd.remote.s32 $0x1  }
0xc4: {  	_ =	sfence.sel $0xFFFF  }
0xc5: {  	[dreg:$0x0] =	wrdreg $0xFFFFFFFF;
	(pc) =	sbr.abs _section_cstart, $3  }
0xc6: {  	[dreg:$0x1] =	wrdreg $0xFFFFFFFF  }
0xc7: {  	_ =	task.clear_ibuf [dreg:s7], $0x2FFFF;
	_ =	strace $0x9FFFFFFF  }
0xc8: {  	(tm) =	ssettm $0x7FFFFFFF  }
0xc9: {  	_ =	shalt  }
tec
execute0_lowered:
.L_overlay_start_1:
0x0: {  	(tag) =	ssettag $0x1  }
0x1: {  	s0 =	rddreg [dreg:$0x0]  }
0x2: {  	s1 =	rddreg [dreg:$0x1]  }
0x3: {  	s2 =	simm.s32 $0x0;
	s3 =	srdreg.scid;
	s5 =	stileid.u32  }
0x4: {  	s9 =	simm.s32 $0x1;
	s21 =	simm.s32 $0x3;
	s22 =	simm.s32 $0x4  }
0x5: {  	s28 =	simm.s32 $0x1A00;
	s29 =	simm.s32 $0x2200;
	s30 =	simm.s32 $0x2A00  }
0x6: {  	s31 =	simm.s32 $0x3200;
	s11 =	simm.s32 $0x4A00;
	s12 =	simm.s32 $0x5200  }
0x7: {  	s13 =	simm.s32 $0x5A00;
	s14 =	simm.s32 $0x6200;
	s15 =	simm.s32 $0x6A00  }
0x8: {  	s16 =	simm.s32 $0x7200;
	s17 =	simm.s32 $0x7A00;
	s20 =	simm.s32 $0x8200  }
0x9: {  	s18 =	simm.s32 $0x8A00;
	s19 =	simm.s32 $0x9200;
	[smem:$0x7FF] =	sst s2  }
0xa: {  	s4 =	sand.u32 $0x1, s3;
	s24 =	sshll.u32 s5, $0x1;
	s3 =	sadd.s32 $0x192600, s0  }
0xb: {  	_ =	strace $0x8000004A;
	s5 =	sor.u32 s4, s24;
	s4 =	ssub.s32 $0x2, s4  }
0xc: {  	s24 =	simm.s32 $0xA00;
	s6 =	sshll.u32 s5, $0x6;
	s5 =	sshll.u32 s5, $0xE  }
0xd: {  	s7 =	sshrl.u32 s4, $0x1;
	s6 =	sadd.s32 s6, s0;
	s8 =	sadd.s32 s1, s5  }
0xe: {  	s4 =	ssub.s32 s4, s7;
	s6 =	sadd.s32 $0xD1A00, s6;
	[dreg:$0x7] =	wrdreg s8  }
0xf: {  	s5 =	sadd.s32 $0x192700, s0;
	s1 =	sadd.s32 $0x1000, s8;
	[dreg:$0x3] =	wrdreg s6  }
0x10: {  	s7 =	sadd.s32 $0x192900, s0;
	s25 =	sadd.s32 $0x2000, s8;
	[dreg:$0x4] =	wrdreg s1  }
0x11: {  	v2 =	vlaneseq.u32;
	s26 =	sadd.s32 $0x3000, s8;
	s8 =	smax.u32 s4, $0x1;
	[dreg:$0x5] =	wrdreg s25  }
0x12: {  	vm0 =	vmmov $0xffff;
	v1 =	vshrl.u32 v2, $0x3;
	s4 =	simm.s32 $0x2;
	s6 =	sadd.s32 $0x192800, s0;
	[dreg:$0x6] =	wrdreg s26  }
0x13: {  	v0 =	vand.u32 $0x7, v2;
	v2 =	vor.u32 $0x8, v2;
	v1 =	vmul.u32 $0x8, v1;
	s26 =	simm.s32 $0x200;
	s25 =	simm.s32 $0x1200;
	s1 =	simm.s32 $0x4200  }
.LBB2_1:
0x14: {  	s23 =	rddreg [dreg:$0x3];
	s0 =	simm.s32 $0x5  }
0x15: {  	[tilespmem:s2], [sflag:$0x5] =	stream.linear.gather [hbm4b:s23+s2], $0x200, $0x38;
	[tilespmem:$0x10200] =	vst v63  }
0x16: {  	_ =	swait.ge [sflag:s0], $0x200  }
0x17: {  	[sflag:s0] =	ssyncset.done $0x0  }
0x18: {  	[sflag:s0] =	ssyncadd.s32 $0xFFFFFE00  }
0x19: {  	v3 =	vld [tilespmem:$0x0];
	_ =	sdelay $0x4  }
0x1a: {  	v4 =	vshll.u32 v3, $0x3  }
0x1b: {  	v3 =	vand.u32 $0x7, v3;
	v4 =	vand.u32 $0xFFFFFFC0, v4  }
0x1c: {  	v3 =	vor.u32 v3, v4  }
0x1d: {  	v4 =	vperm.xlane v3, v0;
	_ =	sdelay $0x1  }
0x1e: {  	v4 =	vadd.s32 v1, v4;
	_ =	sdelay $0x4  }
0x1f: {  	[tilespmem:s26], [sflag:$0x1] =	stream.indirect_vreg.gather [hbm4b:s3+s2], $0x80, v4, vm0, $0xb8;
	[tilespmem:$0x10200] =	vst v63  }
0x20: {  	v3 =	vperm.xlane v3, v2  }
0x21: {  	[tilespmem:s24], [sflag:$0x1] =	stream.indirect_vreg.gather [hbm4b:s5+s2], $0x80, v4, vm0, $0xb8;
	[tilespmem:$0x10200] =	vst v63  }
0x22: {  	v3 =	vadd.s32 v1, v3  }
0x23: {  	[tilespmem:s25], [sflag:$0x1] =	stream.indirect_vreg.gather [hbm4b:s6+s2], $0x80, v4, vm0, $0xb8;
	[tilespmem:$0x10200] =	vst v63  }
0x24: {  	_ = 	snop  }
0x25: {  	[tilespmem:s28], [sflag:$0x1] =	stream.indirect_vreg.gather [hbm4b:s7+s2], $0x80, v4, vm0, $0xb8;
	[tilespmem:$0x10200] =	vst v63  }
0x26: {  	_ = 	snop  }
0x27: {  	[tilespmem:s29], [sflag:$0x1] =	stream.indirect_vreg.gather [hbm4b:s3+s2], $0x80, v3, vm0, $0xb8;
	[tilespmem:$0x10200] =	vst v63  }
0x28: {  	_ = 	snop  }
0x29: {  	[tilespmem:s30], [sflag:$0x1] =	stream.indirect_vreg.gather [hbm4b:s5+s2], $0x80, v3, vm0, $0xb8;
	[tilespmem:$0x10200] =	vst v63  }
0x2a: {  	_ = 	snop  }
0x2b: {  	[tilespmem:s31], [sflag:$0x1] =	stream.indirect_vreg.gather [hbm4b:s6+s2], $0x80, v3, vm0, $0xb8;
	[tilespmem:$0x10200] =	vst v63  }
0x2c: {  	s0 =	simm.s32 $0x3A00  }
0x2d: {  	[tilespmem:s0], [sflag:$0x1] =	stream.indirect_vreg.gather [hbm4b:s7+s2], $0x80, v3, vm0, $0xb8;
	[tilespmem:$0x10200] =	vst v63  }
0x2e: {  	v3 =	vld [tilespmem:$0x10];
	_ =	sdelay $0x4  }
0x2f: {  	v57 =	vshll.u32 v3, $0x3  }
0x30: {  	v3 =	vand.u32 $0x7, v3;
	v4 =	vand.u32 $0xFFFFFFC0, v57  }
0x31: {  	v3 =	vor.u32 v3, v4  }
0x32: {  	v4 =	vperm.xlane v3, v0;
	_ =	sdelay $0x1  }
0x33: {  	v4 =	vadd.s32 v1, v4;
	_ =	sdelay $0x4  }
0x34: {  	[tilespmem:s1], [sflag:$0x1] =	stream.indirect_vreg.gather [hbm4b:s3+s2], $0x80, v4, vm0, $0xb8;
	[tilespmem:$0x10200] =	vst v63  }
0x35: {  	v3 =	vperm.xlane v3, v2  }
0x36: {  	[tilespmem:s11], [sflag:$0x1] =	stream.indirect_vreg.gather [hbm4b:s5+s2], $0x80, v4, vm0, $0xb8;
	[tilespmem:$0x10200] =	vst v63  }
0x37: {  	v3 =	vadd.s32 v1, v3  }
0x38: {  	[tilespmem:s12], [sflag:$0x1] =	stream.indirect_vreg.gather [hbm4b:s6+s2], $0x80, v4, vm0, $0xb8;
	[tilespmem:$0x10200] =	vst v63  }
0x39: {  	_ = 	snop  }
0x3a: {  	[tilespmem:s13], [sflag:$0x1] =	stream.indirect_vreg.gather [hbm4b:s7+s2], $0x80, v4, vm0, $0xb8;
	[tilespmem:$0x10200] =	vst v63  }
0x3b: {  	_ = 	snop  }
0x3c: {  	[tilespmem:s14], [sflag:$0x1] =	stream.indirect_vreg.gather [hbm4b:s3+s2], $0x80, v3, vm0, $0xb8;
	[tilespmem:$0x10200] =	vst v63  }
0x3d: {  	_ = 	snop  }
0x3e: {  	[tilespmem:s15], [sflag:$0x1] =	stream.indirect_vreg.gather [hbm4b:s5+s2], $0x80, v3, vm0, $0xb8;
	[tilespmem:$0x10200] =	vst v63  }
0x3f: {  	_ = 	snop  }
0x40: {  	[tilespmem:s16], [sflag:$0x1] =	stream.indirect_vreg.gather [hbm4b:s6+s2], $0x80, v3, vm0, $0xb8;
	[tilespmem:$0x10200] =	vst v63  }
0x41: {  	_ = 	snop  }
0x42: {  	[tilespmem:s17], [sflag:$0x1] =	stream.indirect_vreg.gather [hbm4b:s7+s2], $0x80, v3, vm0, $0xb8;
	[tilespmem:$0x10200] =	vst v63  }
0x43: {  	v3 =	vld [tilespmem:$0x80];
	_ =	sdelay $0x4  }
0x44: {  	v58 =	vshll.u32 v3, $0x3  }
0x45: {  	v3 =	vand.u32 $0x7, v3;
	v4 =	vand.u32 $0xFFFFFFC0, v58  }
0x46: {  	v3 =	vor.u32 v3, v4  }
0x47: {  	v4 =	vperm.xlane v3, v0;
	_ =	sdelay $0x1  }
0x48: {  	v4 =	vadd.s32 v1, v4;
	_ =	sdelay $0x4  }
0x49: {  	[tilespmem:s20], [sflag:$0x2] =	stream.indirect_vreg.gather [hbm4b:s3+s2], $0x80, v4, vm0, $0xb8;
	[tilespmem:$0x10200] =	vst v63  }
0x4a: {  	v3 =	vperm.xlane v3, v2  }
0x4b: {  	[tilespmem:s18], [sflag:$0x2] =	stream.indirect_vreg.gather [hbm4b:s5+s2], $0x80, v4, vm0, $0xb8;
	[tilespmem:$0x10200] =	vst v63  }
0x4c: {  	v3 =	vadd.s32 v1, v3  }
0x4d: {  	[tilespmem:s19], [sflag:$0x2] =	stream.indirect_vreg.gather [hbm4b:s6+s2], $0x80, v4, vm0, $0xb8;
	[tilespmem:$0x10200] =	vst v63  }
0x4e: {  	s10 =	simm.s32 $0x9A00  }
0x4f: {  	[tilespmem:s10], [sflag:$0x2] =	stream.indirect_vreg.gather [hbm4b:s7+s2], $0x80, v4, vm0, $0xb8;
	[tilespmem:$0x10200] =	vst v63  }
0x50: {  	s10 =	simm.s32 $0xA200  }
0x51: {  	[tilespmem:s10], [sflag:$0x2] =	stream.indirect_vreg.gather [hbm4b:s3+s2], $0x80, v3, vm0, $0xb8;
	[tilespmem:$0x10200] =	vst v63  }
0x52: {  	s23 =	simm.s32 $0xAA00  }
0x53: {  	[tilespmem:s23], [sflag:$0x2] =	stream.indirect_vreg.gather [hbm4b:s5+s2], $0x80, v3, vm0, $0xb8;
	[tilespmem:$0x10200] =	vst v63  }
0x54: {  	s23 =	simm.s32 $0xB200  }
0x55: {  	[tilespmem:s23], [sflag:$0x2] =	stream.indirect_vreg.gather [hbm4b:s6+s2], $0x80, v3, vm0, $0xb8;
	[tilespmem:$0x10200] =	vst v63  }
0x56: {  	s23 =	simm.s32 $0xBA00  }
0x57: {  	[tilespmem:s23], [sflag:$0x2] =	stream.indirect_vreg.gather [hbm4b:s7+s2], $0x80, v3, vm0, $0xb8;
	[tilespmem:$0x10200] =	vst v63  }
0x58: {  	v3 =	vld [tilespmem:$0x90];
	_ =	sdelay $0x4  }
0x59: {  	v59 =	vshll.u32 v3, $0x3  }
0x5a: {  	v3 =	vand.u32 $0x7, v3;
	v4 =	vand.u32 $0xFFFFFFC0, v59  }
0x5b: {  	v3 =	vor.u32 v3, v4  }
0x5c: {  	v4 =	vperm.xlane v3, v0;
	_ =	sdelay $0x1  }
0x5d: {  	v4 =	vadd.s32 v1, v4;
	_ =	sdelay $0x3  }
0x5e: {  	s23 =	simm.s32 $0xC200  }
0x5f: {  	[tilespmem:s23], [sflag:$0x2] =	stream.indirect_vreg.gather [hbm4b:s3+s2], $0x80, v4, vm0, $0xb8;
	[tilespmem:$0x10200] =	vst v63  }
0x60: {  	v3 =	vperm.xlane v3, v2;
	s23 =	simm.s32 $0xCA00  }
0x61: {  	[tilespmem:s23], [sflag:$0x2] =	stream.indirect_vreg.gather [hbm4b:s5+s2], $0x80, v4, vm0, $0xb8;
	[tilespmem:$0x10200] =	vst v63  }
0x62: {  	v3 =	vadd.s32 v1, v3;
	s23 =	simm.s32 $0xD200  }
0x63: {  	[tilespmem:s23], [sflag:$0x2] =	stream.indirect_vreg.gather [hbm4b:s6+s2], $0x80, v4, vm0, $0xb8;
	[tilespmem:$0x10200] =	vst v63  }
0x64: {  	s23 =	simm.s32 $0xDA00  }
0x65: {  	[tilespmem:s23], [sflag:$0x2] =	stream.indirect_vreg.gather [hbm4b:s7+s2], $0x80, v4, vm0, $0xb8;
	[tilespmem:$0x10200] =	vst v63  }
0x66: {  	s23 =	simm.s32 $0xE200  }
0x67: {  	[tilespmem:s23], [sflag:$0x2] =	stream.indirect_vreg.gather [hbm4b:s3+s2], $0x80, v3, vm0, $0xb8;
	[tilespmem:$0x10200] =	vst v63  }
0x68: {  	s23 =	simm.s32 $0xEA00  }
0x69: {  	[tilespmem:s23], [sflag:$0x2] =	stream.indirect_vreg.gather [hbm4b:s5+s2], $0x80, v3, vm0, $0xb8;
	[tilespmem:$0x10200] =	vst v63  }
0x6a: {  	s23 =	simm.s32 $0xF200  }
0x6b: {  	[tilespmem:s23], [sflag:$0x2] =	stream.indirect_vreg.gather [hbm4b:s6+s2], $0x80, v3, vm0, $0xb8;
	[tilespmem:$0x10200] =	vst v63  }
0x6c: {  	s23 =	simm.s32 $0xFA00  }
0x6d: {  	[tilespmem:s23], [sflag:$0x2] =	stream.indirect_vreg.gather [hbm4b:s7+s2], $0x80, v3, vm0, $0xb8;
	[tilespmem:$0x10200] =	vst v63  }
0x6e: {  	_ =	swait.ge [sflag:s9], $0x8000  }
0x6f: {  	[sflag:s9] =	ssyncset.done $0x0  }
0x70: {  	s23 =	rddreg [dreg:$0x7];
	[sflag:s9] =	ssyncadd.s32 $0xFFFF8000  }
0x71: {  	[hbm4b:s23+s2] =	stream.linear.scatter [tilespmem:s26], [sflag:$0x3], $0x8000, $0x38;
	[tilespmem:$0x10200] =	vst v63  }
0x72: {  	_ =	swait.ge [sflag:s21], $0x8000  }
0x73: {  	[sflag:s21] =	ssyncset.done $0x0  }
0x74: {  	[sflag:s21] =	ssyncadd.s32 $0xFFFF8000  }
0x75: {  	v3 =	vld [tilespmem:$0x100];
	_ =	sdelay $0x4  }
0x76: {  	v60 =	vshll.u32 v3, $0x3  }
0x77: {  	v3 =	vand.u32 $0x7, v3;
	v4 =	vand.u32 $0xFFFFFFC0, v60  }
0x78: {  	v3 =	vor.u32 v3, v4  }
0x79: {  	v4 =	vperm.xlane v3, v0;
	_ =	sdelay $0x1  }
0x7a: {  	v4 =	vadd.s32 v1, v4;
	_ =	sdelay $0x4  }
0x7b: {  	[tilespmem:s26], [sflag:$0x1] =	stream.indirect_vreg.gather [hbm4b:s3+s2], $0x80, v4, vm0, $0xb8;
	[tilespmem:$0x10200] =	vst v63  }
0x7c: {  	v3 =	vperm.xlane v3, v2  }
0x7d: {  	[tilespmem:s24], [sflag:$0x1] =	stream.indirect_vreg.gather [hbm4b:s5+s2], $0x80, v4, vm0, $0xb8;
	[tilespmem:$0x10200] =	vst v63  }
0x7e: {  	v3 =	vadd.s32 v1, v3  }
0x7f: {  	[tilespmem:s25], [sflag:$0x1] =	stream.indirect_vreg.gather [hbm4b:s6+s2], $0x80, v4, vm0, $0xb8;
	[tilespmem:$0x10200] =	vst v63  }
0x80: {  	_ = 	snop  }
0x81: {  	[tilespmem:s28], [sflag:$0x1] =	stream.indirect_vreg.gather [hbm4b:s7+s2], $0x80, v4, vm0, $0xb8;
	[tilespmem:$0x10200] =	vst v63  }
0x82: {  	_ = 	snop  }
0x83: {  	[tilespmem:s29], [sflag:$0x1] =	stream.indirect_vreg.gather [hbm4b:s3+s2], $0x80, v3, vm0, $0xb8;
	[tilespmem:$0x10200] =	vst v63  }
0x84: {  	_ = 	snop  }
0x85: {  	[tilespmem:s30], [sflag:$0x1] =	stream.indirect_vreg.gather [hbm4b:s5+s2], $0x80, v3, vm0, $0xb8;
	[tilespmem:$0x10200] =	vst v63  }
0x86: {  	_ = 	snop  }
0x87: {  	[tilespmem:s31], [sflag:$0x1] =	stream.indirect_vreg.gather [hbm4b:s6+s2], $0x80, v3, vm0, $0xb8;
	[tilespmem:$0x10200] =	vst v63  }
0x88: {  	_ = 	snop  }
0x89: {  	[tilespmem:s0], [sflag:$0x1] =	stream.indirect_vreg.gather [hbm4b:s7+s2], $0x80, v3, vm0, $0xb8;
	[tilespmem:$0x10200] =	vst v63  }
0x8a: {  	v3 =	vld [tilespmem:$0x110];
	_ =	sdelay $0x4  }
0x8b: {  	v61 =	vshll.u32 v3, $0x3  }
0x8c: {  	v3 =	vand.u32 $0x7, v3;
	v4 =	vand.u32 $0xFFFFFFC0, v61  }
0x8d: {  	v3 =	vor.u32 v3, v4  }
0x8e: {  	v4 =	vperm.xlane v3, v0;
	_ =	sdelay $0x1  }
0x8f: {  	v4 =	vadd.s32 v1, v4;
	_ =	sdelay $0x4  }
0x90: {  	[tilespmem:s1], [sflag:$0x1] =	stream.indirect_vreg.gather [hbm4b:s3+s2], $0x80, v4, vm0, $0xb8;
	[tilespmem:$0x10200] =	vst v63  }
0x91: {  	v3 =	vperm.xlane v3, v2  }
0x92: {  	[tilespmem:s11], [sflag:$0x1] =	stream.indirect_vreg.gather [hbm4b:s5+s2], $0x80, v4, vm0, $0xb8;
	[tilespmem:$0x10200] =	vst v63  }
0x93: {  	v3 =	vadd.s32 v1, v3  }
0x94: {  	[tilespmem:s12], [sflag:$0x1] =	stream.indirect_vreg.gather [hbm4b:s6+s2], $0x80, v4, vm0, $0xb8;
	[tilespmem:$0x10200] =	vst v63  }
0x95: {  	_ = 	snop  }
0x96: {  	[tilespmem:s13], [sflag:$0x1] =	stream.indirect_vreg.gather [hbm4b:s7+s2], $0x80, v4, vm0, $0xb8;
	[tilespmem:$0x10200] =	vst v63  }
0x97: {  	_ = 	snop  }
0x98: {  	[tilespmem:s14], [sflag:$0x1] =	stream.indirect_vreg.gather [hbm4b:s3+s2], $0x80, v3, vm0, $0xb8;
	[tilespmem:$0x10200] =	vst v63  }
0x99: {  	_ = 	snop  }
0x9a: {  	[tilespmem:s15], [sflag:$0x1] =	stream.indirect_vreg.gather [hbm4b:s5+s2], $0x80, v3, vm0, $0xb8;
	[tilespmem:$0x10200] =	vst v63  }
0x9b: {  	_ = 	snop  }
0x9c: {  	[tilespmem:s16], [sflag:$0x1] =	stream.indirect_vreg.gather [hbm4b:s6+s2], $0x80, v3, vm0, $0xb8;
	[tilespmem:$0x10200] =	vst v63  }
0x9d: {  	_ = 	snop  }
0x9e: {  	[tilespmem:s17], [sflag:$0x1] =	stream.indirect_vreg.gather [hbm4b:s7+s2], $0x80, v3, vm0, $0xb8;
	[tilespmem:$0x10200] =	vst v63  }
0x9f: {  	_ =	swait.ge [sflag:s4], $0x8000  }
0xa0: {  	[sflag:s4] =	ssyncset.done $0x0  }
0xa1: {  	s0 =	rddreg [dreg:$0x4];
	[sflag:s4] =	ssyncadd.s32 $0xFFFF8000  }
0xa2: {  	[hbm4b:s0+s2] =	stream.linear.scatter [tilespmem:s20], [sflag:$0x4], $0x8000, $0x38;
	[tilespmem:$0x10200] =	vst v63  }
0xa3: {  	_ =	swait.ge [sflag:s22], $0x8000  }
0xa4: {  	[sflag:s22] =	ssyncset.done $0x0  }
0xa5: {  	[sflag:s22] =	ssyncadd.s32 $0xFFFF8000  }
0xa6: {  	v3 =	vld [tilespmem:$0x180];
	_ =	sdelay $0x4  }
0xa7: {  	v62 =	vshll.u32 v3, $0x3  }
0xa8: {  	v3 =	vand.u32 $0x7, v3;
	v4 =	vand.u32 $0xFFFFFFC0, v62  }
0xa9: {  	v3 =	vor.u32 v3, v4  }
0xaa: {  	v4 =	vperm.xlane v3, v0;
	_ =	sdelay $0x1  }
0xab: {  	v4 =	vadd.s32 v1, v4;
	_ =	sdelay $0x4  }
0xac: {  	[tilespmem:s20], [sflag:$0x2] =	stream.indirect_vreg.gather [hbm4b:s3+s2], $0x80, v4, vm0, $0xb8;
	[tilespmem:$0x10200] =	vst v63  }
0xad: {  	v3 =	vperm.xlane v3, v2  }
0xae: {  	[tilespmem:s18], [sflag:$0x2] =	stream.indirect_vreg.gather [hbm4b:s5+s2], $0x80, v4, vm0, $0xb8;
	[tilespmem:$0x10200] =	vst v63  }
0xaf: {  	v3 =	vadd.s32 v1, v3  }
0xb0: {  	[tilespmem:s19], [sflag:$0x2] =	stream.indirect_vreg.gather [hbm4b:s6+s2], $0x80, v4, vm0, $0xb8;
	[tilespmem:$0x10200] =	vst v63  }
0xb1: {  	s23 =	simm.s32 $0x9A00  }
0xb2: {  	[tilespmem:s23], [sflag:$0x2] =	stream.indirect_vreg.gather [hbm4b:s7+s2], $0x80, v4, vm0, $0xb8;
	[tilespmem:$0x10200] =	vst v63  }
0xb3: {  	_ = 	snop  }
0xb4: {  	[tilespmem:s10], [sflag:$0x2] =	stream.indirect_vreg.gather [hbm4b:s3+s2], $0x80, v3, vm0, $0xb8;
	[tilespmem:$0x10200] =	vst v63  }
0xb5: {  	s23 =	simm.s32 $0xAA00  }
0xb6: {  	[tilespmem:s23], [sflag:$0x2] =	stream.indirect_vreg.gather [hbm4b:s5+s2], $0x80, v3, vm0, $0xb8;
	[tilespmem:$0x10200] =	vst v63  }
0xb7: {  	s10 =	simm.s32 $0xB200  }
0xb8: {  	[tilespmem:s10], [sflag:$0x2] =	stream.indirect_vreg.gather [hbm4b:s6+s2], $0x80, v3, vm0, $0xb8;
	[tilespmem:$0x10200] =	vst v63  }
0xb9: {  	s23 =	simm.s32 $0xBA00  }
0xba: {  	[tilespmem:s23], [sflag:$0x2] =	stream.indirect_vreg.gather [hbm4b:s7+s2], $0x80, v3, vm0, $0xb8;
	[tilespmem:$0x10200] =	vst v63  }
0xbb: {  	v3 =	vld [tilespmem:$0x190];
	_ =	sdelay $0x4  }
0xbc: {  	v63 =	vshll.u32 v3, $0x3  }
0xbd: {  	v3 =	vand.u32 $0x7, v3;
	v4 =	vand.u32 $0xFFFFFFC0, v63  }
0xbe: {  	v3 =	vor.u32 v3, v4  }
0xbf: {  	v4 =	vperm.xlane v3, v0;
	_ =	sdelay $0x1  }
0xc0: {  	v4 =	vadd.s32 v1, v4;
	_ =	sdelay $0x3  }
0xc1: {  	s10 =	simm.s32 $0xC200  }
0xc2: {  	[tilespmem:s10], [sflag:$0x2] =	stream.indirect_vreg.gather [hbm4b:s3+s2], $0x80, v4, vm0, $0xb8;
	[tilespmem:$0x10200] =	vst v63  }
0xc3: {  	s23 =	simm.s32 $0xCA00;
	v3 =	vperm.xlane v3, v2  }
0xc4: {  	[tilespmem:s23], [sflag:$0x2] =	stream.indirect_vreg.gather [hbm4b:s5+s2], $0x80, v4, vm0, $0xb8;
	[tilespmem:$0x10200] =	vst v63  }
0xc5: {  	v3 =	vadd.s32 v1, v3;
	s10 =	simm.s32 $0xD200  }
0xc6: {  	[tilespmem:s10], [sflag:$0x2] =	stream.indirect_vreg.gather [hbm4b:s6+s2], $0x80, v4, vm0, $0xb8;
	[tilespmem:$0x10200] =	vst v63  }
0xc7: {  	s23 =	simm.s32 $0xDA00  }
0xc8: {  	[tilespmem:s23], [sflag:$0x2] =	stream.indirect_vreg.gather [hbm4b:s7+s2], $0x80, v4, vm0, $0xb8;
	[tilespmem:$0x10200] =	vst v63  }
0xc9: {  	s10 =	simm.s32 $0xE200  }
0xca: {  	[tilespmem:s10], [sflag:$0x2] =	stream.indirect_vreg.gather [hbm4b:s3+s2], $0x80, v3, vm0, $0xb8;
	[tilespmem:$0x10200] =	vst v63  }
0xcb: {  	s23 =	simm.s32 $0xEA00  }
0xcc: {  	[tilespmem:s23], [sflag:$0x2] =	stream.indirect_vreg.gather [hbm4b:s5+s2], $0x80, v3, vm0, $0xb8;
	[tilespmem:$0x10200] =	vst v63  }
0xcd: {  	s10 =	simm.s32 $0xF200  }
0xce: {  	[tilespmem:s10], [sflag:$0x2] =	stream.indirect_vreg.gather [hbm4b:s6+s2], $0x80, v3, vm0, $0xb8;
	[tilespmem:$0x10200] =	vst v63  }
0xcf: {  	s23 =	simm.s32 $0xFA00  }
0xd0: {  	[tilespmem:s23], [sflag:$0x2] =	stream.indirect_vreg.gather [hbm4b:s7+s2], $0x80, v3, vm0, $0xb8;
	[tilespmem:$0x10200] =	vst v63  }
0xd1: {  	_ =	swait.ge [sflag:s9], $0x8000  }
0xd2: {  	[sflag:s9] =	ssyncset.done $0x0  }
0xd3: {  	s0 =	rddreg [dreg:$0x5];
	[sflag:s9] =	ssyncadd.s32 $0xFFFF8000  }
0xd4: {  	[hbm4b:s0+s2] =	stream.linear.scatter [tilespmem:s26], [sflag:$0x3], $0x8000, $0x38;
	[tilespmem:$0x10200] =	vst v63  }
0xd5: {  	_ =	swait.ge [sflag:s4], $0x8000  }
0xd6: {  	[sflag:s4] =	ssyncset.done $0x0  }
0xd7: {  	s10 =	rddreg [dreg:$0x6];
	[sflag:s4] =	ssyncadd.s32 $0xFFFF8000  }
0xd8: {  	[hbm4b:s10+s2] =	stream.linear.scatter [tilespmem:s20], [sflag:$0x4], $0x8000, $0x38;
	[tilespmem:$0x10200] =	vst v63  }
0xd9: {  	p0 =	sne.s32 s8, $0x1;
	_ =	swait.ge [sflag:s21], $0x8000  }
.Ltmp0:
0xda: {  	[sflag:s21] =	ssyncset.done $0x0;
	(pc) =	sbr.rel @p0 .LBB2_1-.Ltmp0, $4  }
0xdb: {  	[sflag:s21] =	ssyncadd.s32 $0xFFFF8000  }
0xdc: {  	_ =	swait.ge [sflag:s22], $0x8000  }
0xdd: {  	[sflag:s22] =	ssyncset.done $0x0  }
0xde: {  	s8 =	sadd.s32 $0xFFFFFFFF, s8;
	[sflag:s22] =	ssyncadd.s32 $0xFFFF8000  }
0xdf: {  	_ =	sfence.sel $0x180000  }
0xe0: {  	[bflag:$0x0] =	sbarrier.arrive $0xFFFF  }
0xe1: {  	_ =	strace $0x9000004A  }
0xe2: {  	s0 =	stileid.u32;
	[bflag:$0x2] =	sbarrier.arrive $0xFFFF  }
0xe3: {  	p0 =	sne.s32 s0, $0x0;
	s0 =	rddreg [dreg:$0x2]  }
0xe4: {  	s0 =	sadd.s32 @!p0 $0x100000, s0  }
0xe5: {  	[sflag:s0] =	ssyncadd.tile.s32 @!p0 $0x1;
	_ =	shalt  }
.Lfunc_end2:
_tile_overlayer_lowered:
.L_overlay_start_2:
0xe6: {  	(tag) =	ssettag $0x2  }
0xe7: {  	s0 =	rddreg [dreg:$0x0];
	s2 =	stileid.u32  }
0xe8: {  	s1 =	rddreg [dreg:$0x1];
	p0 =	sne.s32 s2, $0x0  }
0xe9: {  	s3 =	rddreg [dreg:$0x2];
	[bflag:$0x3] =	sbarrier.arrive $0xFFFF;
	s2 =	simm.s32 @!p0 $0x1C05  }
0xea: {  	[timem:s3], [sflag:s2] =	dma.local @!p0 [hbm:s0], s1  }
0xeb: {  	s0 =	simm.s32 @!p0 $0x5  }
0xec: {  	_ =	swait.ge @!p0 [sflag:s0], s1  }
0xed: {  	s1 =	ssub.s32 @!p0 $0x0, s1;
	[sflag:s0] =	ssyncset.done @!p0 $0x0  }
0xee: {  	[sflag:s0] =	ssyncadd.s32 @!p0 s1  }
0xef: {  	[bflag:$0x3] =	sbarrier.arrive $0xFFFF  }
0xf0: {  	_ =	shalt  }

// kernel: kernel.7.cloned.1.call-start
scs
__scs_entry_jumppad:
0x0: {  	(pc) =	sbr.rel $0x88, $3  }
0x1: {  	(tag) =	ssettag $0x0;
	lr =	simm.s32 $0x1  }
0x2: {  	[smem:$0x3F9C] =	sst lr;
	_ =	strace $0xD0000000  }
0x3: {  	_ = 	snop  }
0x4: {  	_ = 	snop  }
0x5: {  	_ = 	snop  }
0x6: {  	_ = 	snop  }
0x7: {  	_ = 	snop  }
__scs_overlays_trampoline_lowered:
0x8: {  	[smem:$0x3FAB] =	sst s0  }
0x9: {  	[smem:$0x3FAC] =	sst s1  }
0xa: {  	[smem:$0x3FAD] =	sst s2  }
0xb: {  	[smem:$0x3FAE] =	sst s3  }
0xc: {  	[smem:$0x3FAF] =	sst s4  }
0xd: {  	[smem:$0x3FB0] =	sst s5  }
0xe: {  	[smem:$0x3FB1] =	sst s6  }
0xf: {  	[smem:$0x3FB2] =	sst s7  }
0x10: {  	[smem:$0x3FB3] =	sst s8  }
0x11: {  	[smem:$0x3FB4] =	sst s9;
	s0 =	simm.s32 @!p0 $0x0  }
0x12: {  	s1 =	sld [smem:$0x3F9A];
	s0 =	simm.s32 @p0 $0x1  }
0x13: {  	[smem:$0x3FB5] =	sst s0;
	s0 =	simm.s32 @!p1 $0x0  }
0x14: {  	s2 =	sld [smem:$0x3F99];
	s0 =	simm.s32 @p1 $0x1  }
0x15: {  	[smem:$0x3FB6] =	sst s0;
	s0 =	simm.s32 @!p2 $0x0  }
0x16: {  	s3 =	sld [smem:$0x3FDB];
	s0 =	simm.s32 @p2 $0x1  }
0x17: {  	s4 =	simm.s32 $0x1BF5;
	[smem:$0x3FB8] =	sst s0  }
0x18: {  	s0 =	sld [smem:$0x3F9B];
	_ =	swait.ge [sflag:s4], $0x0  }
0x19: {  	s7 =	sld [smem:$0x3F9C]  }
0x1a: {  	s8 =	sadd.s32 $0xFFFFE003, lr  }
0x1b: {  	s9 =	sadd.s32 $0xFFFFFEF7, lr;
	s5 =	simm.s32 $0xFFFFFFFF;
	p2 =	slt.u32 s8, $0xFFFFF086  }
0x1c: {  	p1 =	slt.u32 s9, $0xF7A;
	s5 =	simm.s32 @!p2 $0x0  }
0x1d: {  	s5 =	simm.s32 @p1 $0x1;
	p0 =	seq.s32 s7, s2  }
0x1e: {  	s7 =	smul.u32 @!p0 $0xF7A, s2;
	p2 =	seq.s32 @!p0 s5, $0x0  }
0x1f: {  	s9 =	smul.u32 $0xF7A, s1;
	s8 =	simm.s32 @!p0 $0x1BF5;
	p2 =	por !p2, p0  }
0x20: {  	[sflag:s8] =	ssyncset.s32 @!p0 $0xFFFFF086;
	s6 =	sadd.s32 @!p0 s3, s7;
	s7 =	simm.s32 @!p0 $0x108  }
0x21: {  	s3 =	sadd.s32 s3, s9;
	s6 =	sadd.s32 @!p0 $0x88, s6;
	s7 =	simm.s32 @p2 $0x1082  }
0x22: {  	[simem:s7], [sflag:s8] =	dma.local @!p0 [hbm:s6], $0xF7A  }
0x23: {  	s9 =	sor.u32 $0xD0000000, s2;
	s6 =	simm.s32 $0x108;
	_ =	swait.ge @!p0 [sflag:s8], $0x0  }
0x24: {  	s3 =	sadd.s32 $0x88, s3;
	s6 =	simm.s32 @!p1 $0x1082;
	[sflag:s4] =	ssyncset.s32 $0xFFFFF086  }
0x25: {  	[simem:s6], [sflag:s4] =	dma.local [hbm:s3], $0xF7A  }
0x26: {  	[smem:$0x3F9C] =	sst s1;
	(tag) =	ssettag s2;
	_ =	strace s9  }
0x27: {  	s1 =	sld [smem:$0x3FAC]  }
0x28: {  	s2 =	sld [smem:$0x3FAD]  }
0x29: {  	s4 =	sld [smem:$0x3FAF]  }
0x2a: {  	p0 =	seq.s32 s5, $0x0;
	s5 =	sld [smem:$0x3FB0]  }
0x2b: {  	s6 =	sld [smem:$0x3FB1]  }
0x2c: {  	s7 =	sld [smem:$0x3FB2]  }
0x2d: {  	s3 =	simm.s32 $0x108;
	s8 =	sld [smem:$0x3FB3]  }
0x2e: {  	s3 =	simm.s32 @!p0 $0x1082;
	s9 =	sld [smem:$0x3FB4]  }
0x2f: {  	lr =	sadd.s32 s0, s3;
	s0 =	sld [smem:$0x3FAB]  }
0x30: {  	s3 =	sld [smem:$0x3FAE]  }
0x31: {  	[smem:$0x3FB7] =	sst s10  }
0x32: {  	s10 =	sld [smem:$0x3FB5];
	_ =	sdelay $0x3  }
0x33: {  	p0 =	seq.s32 s10, $0x1;
	s10 =	sld [smem:$0x3FB7];
	_ =	sdelay $0x3  }
0x34: {  	[smem:$0x3FB7] =	sst s10  }
0x35: {  	s10 =	sld [smem:$0x3FB6];
	_ =	sdelay $0x3  }
0x36: {  	p1 =	seq.s32 s10, $0x1;
	s10 =	sld [smem:$0x3FB7];
	_ =	sdelay $0x3  }
0x37: {  	[smem:$0x3FB7] =	sst s10  }
0x38: {  	s10 =	sld [smem:$0x3FB8]  }
0x39: {  	_ = 	snop;
	(pc) =	sbr.ind lr, $3  }
0x3a: {  	_ = 	snop  }
0x3b: {  	_ = 	snop  }
0x3c: {  	p2 =	seq.s32 s10, $0x1;
	s10 =	sld [smem:$0x3FB7]  }
0x3d: {  	_ =	shalt  }
0x3e: {  	_ =	shalt  }
0x3f: {  	_ =	shalt  }
0x40: {  	_ =	shalt  }
0x41: {  	_ =	shalt  }
0x42: {  	_ =	shalt  }
0x43: {  	_ =	shalt  }
0x44: {  	_ =	shalt  }
0x45: {  	_ =	shalt  }
0x46: {  	_ =	shalt  }
0x47: {  	_ =	shalt  }
0x48: {  	_ =	shalt  }
0x49: {  	_ =	shalt  }
0x4a: {  	_ =	shalt  }
0x4b: {  	_ =	shalt  }
0x4c: {  	_ =	shalt  }
0x4d: {  	_ =	shalt  }
0x4e: {  	_ =	shalt  }
0x4f: {  	_ =	shalt  }
0x50: {  	_ =	shalt  }
0x51: {  	_ =	shalt  }
0x52: {  	_ =	shalt  }
0x53: {  	_ =	shalt  }
0x54: {  	_ =	shalt  }
0x55: {  	_ =	shalt  }
0x56: {  	_ =	shalt  }
0x57: {  	_ =	shalt  }
0x58: {  	_ =	shalt  }
0x59: {  	_ =	shalt  }
0x5a: {  	_ =	shalt  }
0x5b: {  	_ =	shalt  }
0x5c: {  	_ =	shalt  }
0x5d: {  	_ =	shalt  }
0x5e: {  	_ =	shalt  }
0x5f: {  	_ =	shalt  }
0x60: {  	_ =	shalt  }
0x61: {  	_ =	shalt  }
0x62: {  	_ =	shalt  }
0x63: {  	_ =	shalt  }
0x64: {  	_ =	shalt  }
0x65: {  	_ =	shalt  }
0x66: {  	_ =	shalt  }
0x67: {  	_ =	shalt  }
0x68: {  	_ =	shalt  }
0x69: {  	_ =	shalt  }
0x6a: {  	_ =	shalt  }
0x6b: {  	_ =	shalt  }
0x6c: {  	_ =	shalt  }
0x6d: {  	_ =	shalt  }
0x6e: {  	_ =	shalt  }
0x6f: {  	_ =	shalt  }
0x70: {  	_ =	shalt  }
0x71: {  	_ =	shalt  }
0x72: {  	_ =	shalt  }
0x73: {  	_ =	shalt  }
0x74: {  	_ =	shalt  }
0x75: {  	_ =	shalt  }
0x76: {  	_ =	shalt  }
0x77: {  	_ =	shalt  }
0x78: {  	_ =	shalt  }
0x79: {  	_ =	shalt  }
0x7a: {  	_ =	shalt  }
0x7b: {  	_ =	shalt  }
0x7c: {  	_ =	shalt  }
0x7d: {  	_ =	shalt  }
0x7e: {  	_ =	shalt  }
0x7f: {  	_ =	shalt  }
0x80: {  	_ =	shalt  }
0x81: {  	_ =	shalt  }
0x82: {  	_ =	shalt  }
0x83: {  	_ =	shalt  }
0x84: {  	_ =	shalt  }
0x85: {  	_ =	shalt  }
0x86: {  	_ =	shalt  }
0x87: {  	_ =	shalt  }
.Lfunc_end0:
.L_simem_size_0:
called_computation_lowered:
.L_overlay_start_0:
0x88: {  	s2 =	sld [smem:$0x3FD9]  }
0x89: {  	s3 =	sld [smem:$0x3FFE];
	_ =	sdelay $0x1  }
0x8a: {  	s1 =	srdreg.scid  }
0x8b: {  	s0 =	sand.u32 $0x1, s1  }
0x8c: {  	s14 =	sshll.u32 s0, $0xA;
	s2 =	sadd.s32 s3, s2  }
0x8d: {  	s2 =	sadd.s32 s2, s14  }
0x8e: {  	[smem:$0x3FC3] =	sst s2  }
0x8f: {  	_ = 	snop  }
0x90: {  	s2 =	sld [smem:$0x3FD0];
	_ =	sdelay $0x2  }
0x91: {  	s4 =	simm.s32 $0xA;
	s5 =	simm.s32 $0x10;
	s15 =	sld [smem:$0x3FC9]  }
0x92: {  	[smem:s5], [sflag:s4] =	dma.local [hbm:s2], $0x1  }
0x93: {  	_ =	swait.eq [sflag:s4], $0x1  }
0x94: {  	[sflag:s4] =	ssyncset.done $0x0  }
0x95: {  	s16 =	sld [smem:$0x10];
	[sflag:s4] =	ssyncadd.s32 $0xFFFFFFFF  }
0x96: {  	s17 =	sld [smem:$0x11];
	(tm) =	ssettm $0x1  }
0x97: {  	s18 =	sld [smem:$0x3FFB];
	_ =	sdelay $0x3  }
0x98: {  	_ =	strace s18  }
0x99: {  	s5 =	sld [smem:$0x3FFC];
	_ =	sdelay $0x3  }
0x9a: {  	_ =	strace s5  }
0x9b: {  	s5 =	sld [smem:$0x3FFD];
	_ =	sdelay $0x3  }
0x9c: {  	_ =	strace s5  }
0x9d: {  	_ =	strace $0x8FFFFFFF  }
0x9e: {  	s19 =	sld [smem:$0x3FDB];
	_ =	sdelay $0x1  }
0x9f: {  	s6 =	simm.s32 $_scs_section_size  }
0xa0: {  	s7 =	simm.s32 $_size__tile_overlayer_lowered;
	s8 =	simm.s32 $_tile_overlayer_lowered  }
0xa1: {  	s22 =	simm.s32 $0x1BFF;
	s21 =	sshll.u32 s8, $0x1;
	s5 =	sadd.s32 s6, s19  }
0xa2: {  	s9 =	simm.s32 $0x0;
	s20 =	sshll.u32 s7, $0x1;
	s7 =	sadd.s32 s21, s5  }
0xa3: {  	[timem:s9], [sflag:s22] =	dma.local [hbm:s7], s20  }
0xa4: {  	_ =	swait.ge [sflag:s22], s20  }
0xa5: {  	s6 =	ssub.s32 $0x0, s20;
	[sflag:s22] =	ssyncset.done $0x0  }
0xa6: {  	[sflag:s22] =	ssyncadd.s32 s6;
	_ =	sdelay $0x1  }
0xa7: {  	s23 =	simm.s32 $0x1B8B  }
0xa8: {  	_ =	swait.ge [sflag:s23], $0x1  }
0xa9: {  	[sflag:s23] =	ssyncset.done $0x0  }
0xaa: {  	s25 =	simm.s32 $0x1B8E;
	s24 =	sld [smem:$0x3FFE];
	[sflag:s23] =	ssyncadd.s32 $0xFFFFFFFF  }
0xab: {  	s26 =	simm.s32 $execute0_lowered;
	[smem:$0x3FD2] =	sst s25  }
0xac: {  	s7 =	sshll.u32 s26, $0x1;
	_ =	strace $0x80000046;
	[dreg:$0x1] =	wrdreg $0xFFFFFFFF  }
0xad: {  	s28 =	simm.s32 $_size_execute0_lowered;
	s5 =	sadd.s32 s5, s7;
	[dreg:$0x0] =	wrdreg $0x0  }
0xae: {  	s7 =	sshll.u32 s28, $0x1;
	[dreg:$0x2] =	wrdreg s5  }
0xaf: {  	[dreg:$0x3] =	wrdreg s7  }
0xb0: {  	[dreg:$0x4] =	wrdreg $0xC0  }
0xb1: {  	_ =	task [dreg:s9], $0x5FFFF  }
0xb2: {  	[dreg:$0x1] =	wrdreg $0xFFFFFFFF  }
0xb3: {  	[dreg:$0x0] =	wrdreg $0x60  }
0xb4: {  	[dreg:$0x2] =	wrdreg s15  }
0xb5: {  	[dreg:$0x3] =	wrdreg s17  }
0xb6: {  	[dreg:$0x4] =	wrdreg s16  }
0xb7: {  	[dreg:$0x5] =	wrdreg s24  }
0xb8: {  	[dreg:$0x6] =	wrdreg $0x9  }
0xb9: {  	_ =	task.clear_ibuf [dreg:s9], $0x7FFFF;
	_ =	strace $0x90000046  }
0xba: {  	s29 =	simm.s32 $0x9;
	_ =	strace $0x80000048  }
0xbb: {  	_ =	swait.ge [sflag:s29], $0x1  }
0xbc: {  	[sflag:s29] =	ssyncadd.s32 $0xFFFFFFFF  }
0xbd: {  	_ =	strace $0x90000048  }
0xbe: {  	_ =	sfence  }
0xbf: {  	s30 =	sld [smem:$0x0];
	_ =	sdelay $0x2  }
0xc0: {  	s31 =	sshll.u32 s1, $0xD;
	s1 =	sshrl.u32 s1, $0x2  }
0xc1: {  	s3 =	sand.u32 $0x4000, s31;
	s1 =	sadd.s32 s1, s30  }
0xc2: {  	s0 =	sor.u32 s3, s0;
	s1 =	sshll.u32 s1, $0x11  }
0xc3: {  	s0 =	sor.u32 s1, s0  }
0xc4: {  	s0 =	sadd.s32 $0x8F2B, s0  }
0xc5: {  	[sflag:s0] =	ssyncadd.remote.s32 $0x1  }
0xc6: {  	_ =	sfence.sel $0xFFFF  }
0xc7: {  	[dreg:$0x0] =	wrdreg $0xFFFFFFFF;
	(pc) =	sbr.abs _section_cstart, $3  }
0xc8: {  	[dreg:$0x1] =	wrdreg $0xFFFFFFFF  }
0xc9: {  	_ =	task.clear_ibuf [dreg:s9], $0x2FFFF;
	_ =	strace $0x9FFFFFFF  }
0xca: {  	(tm) =	ssettm $0x7FFFFFFF  }
0xcb: {  	_ =	shalt  }
tec
execute0_lowered:
.L_overlay_start_1:
0x0: {  	(tag) =	ssettag $0x1  }
0x1: {  	s0 =	rddreg [dreg:$0x0]  }
0x2: {  	s1 =	rddreg [dreg:$0x1]  }
0x3: {  	s3 =	rddreg [dreg:$0x2]  }
0x4: {  	s7 =	rddreg [dreg:$0x3]  }
0x5: {  	s4 =	srdreg.scid;
	s5 =	stileid.u32;
	s2 =	simm.s32 $0x0  }
0x6: {  	s24 =	simm.s32 $0x80;
	s25 =	simm.s32 $0x100;
	s26 =	simm.s32 $0x180  }
0x7: {  	s11 =	simm.s32 $0x5;
	s29 =	simm.s32 $0x1;
	s28 =	simm.s32 $0x1380  }
0x8: {  	s31 =	simm.s32 $0x1B80;
	s30 =	simm.s32 $0x3;
	s9 =	simm.s32 $0x9B80  }
0x9: {  	s12 =	simm.s32 $0xA380;
	s10 =	simm.s32 $0xC380;
	s13 =	simm.s32 $0xCB80  }
0xa: {  	s14 =	simm.s32 $0xD380;
	[smem:$0x7FF] =	sst s2;
	s6 =	sadd.s32 $0x1800, s7  }
0xb: {  	s15 =	simm.s32 $0xDB80;
	_ =	strace $0x80000047;
	[dreg:$0x5] =	wrdreg s6  }
0xc: {  	s4 =	sand.u32 $0x1, s4;
	s5 =	sshll.u32 s5, $0x1;
	[dreg:$0xc] =	wrdreg s24  }
0xd: {  	s5 =	sor.u32 s4, s5;
	s18 =	ssub.s32 $0x2, s4;
	[dreg:$0xd] =	wrdreg s25  }
0xe: {  	s4 =	sadd.s32 $0x11A00, s7;
	s6 =	sadd.s32 $0x11C00, s7;
	[dreg:$0xe] =	wrdreg s26  }
0xf: {  	s24 =	simm.s32 $0x2;
	s8 =	sshll.u32 s5, $0xE;
	s16 =	sshll.u32 s5, $0x6  }
0x10: {  	s5 =	sshll.u32 s5, $0x4;
	s20 =	sshrl.u32 s18, $0x1;
	s8 =	sadd.s32 s0, s8  }
0x11: {  	s0 =	sadd.s32 s16, s7;
	s1 =	sadd.s32 s1, s5;
	s19 =	sadd.s32 s3, s5  }
0x12: {  	s21 =	ssub.s32 s18, s20;
	s5 =	sadd.s32 $0x11B00, s7;
	[dreg:$0x7] =	wrdreg s1  }
0x13: {  	s7 =	sadd.s32 $0x11D00, s7;
	s20 =	simm.s32 $0xAB80;
	[dreg:$0x8] =	wrdreg s19  }
0x14: {  	s3 =	simm.s32 $0xBB80;
	s17 =	sadd.s32 $0x1000, s8;
	[dreg:$0xf] =	wrdreg s8  }
0x15: {  	s16 =	simm.s32 $0xE380;
	s0 =	sadd.s32 $0xD1A00, s0;
	[dreg:$0x6] =	wrdreg s17  }
0x16: {  	s18 =	simm.s32 $0xF380;
	s22 =	sadd.s32 $0x2000, s8;
	[dreg:$0x9] =	wrdreg s0  }
0x17: {  	v2 =	vlaneseq.u32;
	s23 =	sadd.s32 $0x3000, s8;
	s8 =	smax.u32 s21, $0x1;
	[dreg:$0xa] =	wrdreg s22  }
0x18: {  	vm0 =	vmmov $0xffff;
	v1 =	vshrl.u32 v2, $0x3;
	s21 =	simm.s32 $0xB380;
	s19 =	simm.s32 $0xFB80;
	[dreg:$0xb] =	wrdreg s23  }
0x19: {  	v0 =	vand.u32 $0x7, v2;
	v2 =	vor.u32 $0x8, v2;
	v1 =	vmul.u32 $0x8, v1;
	s22 =	simm.s32 $0x8B80;
	s23 =	simm.s32 $0x9380;
	s17 =	simm.s32 $0xEB80  }
.LBB2_1:
0x1a: {  	s26 =	rddreg [dreg:$0xf];
	s0 =	simm.s32 $0x380  }
0x1b: {  	[tilespmem:s0], [sflag:$0x1] =	stream.linear.gather [hbm4b:s26+s2], $0x8000, $0x38;
	[tilespmem:$0x10380] =	vst v63  }
0x1c: {  	s25 =	rddreg [dreg:$0x6];
	s1 =	simm.s32 $0x8380  }
0x1d: {  	[tilespmem:s1], [sflag:$0x2] =	stream.linear.gather [hbm4b:s25+s2], $0x8000, $0x38;
	[tilespmem:$0x10380] =	vst v63  }
0x1e: {  	s26 =	rddreg [dreg:$0x5]  }
0x1f: {  	[tilespmem:s2], [sflag:$0x5] =	stream.linear.gather [hbm4b:s26+s2], $0x80, $0x38;
	[tilespmem:$0x10380] =	vst v63  }
0x20: {  	_ =	swait.ge [sflag:s11], $0x80  }
0x21: {  	s0 =	rddreg [dreg:$0x7];
	[sflag:s11] =	ssyncset.done $0x0  }
0x22: {  	s1 =	rddreg [dreg:$0xc];
	[sflag:s11] =	ssyncadd.s32 $0xFFFFFF80  }
0x23: {  	[tilespmem:s1], [sflag:$0x5] =	stream.linear.gather [hbm4b:s0+s2], $0x80, $0x38;
	[tilespmem:$0x10380] =	vst v63  }
0x24: {  	_ =	swait.ge [sflag:s11], $0x80  }
0x25: {  	s0 =	rddreg [dreg:$0x8];
	[sflag:s11] =	ssyncset.done $0x0  }
0x26: {  	s1 =	rddreg [dreg:$0xd];
	[sflag:s11] =	ssyncadd.s32 $0xFFFFFF80  }
0x27: {  	[tilespmem:s1], [sflag:$0x5] =	stream.linear.gather [hbm4b:s0+s2], $0x80, $0x38;
	[tilespmem:$0x10380] =	vst v63  }
0x28: {  	_ =	swait.ge [sflag:s11], $0x80  }
0x29: {  	[sflag:s11] =	ssyncset.done $0x0  }
0x2a: {  	[sflag:s11] =	ssyncadd.s32 $0xFFFFFF80  }
0x2b: {  	v3 =	vld [tilespmem:$0x80];
	_ =	sdelay $0x5  }
0x2c: {  	v4 =	vld [tilespmem:$0x100]  }
0x2d: {  	v5 =	vld [tilespmem:$0x90]  }
0x2e: {  	v3 =	vld.idx.msk [tilespmem:v3+s2+$0x0], $0xffff;
	_ =	sdelay $0x4  }
0x2f: {  	v47 =	vld [tilespmem:$0x110];
	v3 =	vadd.s32 v4, v3  }
0x30: {  	[tilespmem:$0x180] =	vst v3;
	v3 =	vld [tilespmem:$0xA0]  }
0x31: {  	v5 =	vld.idx.msk [tilespmem:v5+s2+$0x0], $0xffff;
	_ =	sdelay $0x4  }
0x32: {  	v48 =	vld [tilespmem:$0x120];
	v4 =	vadd.s32 v47, v5  }
0x33: {  	v49 =	vld [tilespmem:$0xB0];
	[tilespmem:$0x190] =	vst v4  }
0x34: {  	v3 =	vld.idx.msk [tilespmem:v3+s2+$0x0], $0xffff;
	_ =	sdelay $0x4  }
0x35: {  	v50 =	vld [tilespmem:$0x130];
	v3 =	vadd.s32 v48, v3  }
0x36: {  	[tilespmem:$0x200] =	vst v3;
	v3 =	vld [tilespmem:$0xC0]  }
0x37: {  	v4 =	vld.idx.msk [tilespmem:v49+s2+$0x0], $0xffff;
	_ =	sdelay $0x4  }
0x38: {  	v51 =	vld [tilespmem:$0x140];
	v4 =	vadd.s32 v50, v4  }
0x39: {  	v52 =	vld [tilespmem:$0xD0];
	[tilespmem:$0x210] =	vst v4  }
0x3a: {  	v3 =	vld.idx.msk [tilespmem:v3+s2+$0x0], $0xffff;
	_ =	sdelay $0x4  }
0x3b: {  	v53 =	vld [tilespmem:$0x150];
	v3 =	vadd.s32 v51, v3  }
0x3c: {  	[tilespmem:$0x280] =	vst v3;
	v3 =	vld [tilespmem:$0xE0]  }
0x3d: {  	v4 =	vld.idx.msk [tilespmem:v52+s2+$0x0], $0xffff;
	_ =	sdelay $0x4  }
0x3e: {  	v54 =	vld [tilespmem:$0x160];
	v4 =	vadd.s32 v53, v4  }
0x3f: {  	v55 =	vld [tilespmem:$0xF0];
	[tilespmem:$0x290] =	vst v4  }
0x40: {  	v3 =	vld.idx.msk [tilespmem:v3+s2+$0x0], $0xffff;
	_ =	sdelay $0x4  }
0x41: {  	v3 =	vadd.s32 v54, v3  }
0x42: {  	[tilespmem:$0x300] =	vst v3;
	v3 =	vld [tilespmem:$0x170]  }
0x43: {  	v4 =	vld.idx.msk [tilespmem:v55+s2+$0x0], $0xffff;
	_ =	sdelay $0x4  }
0x44: {  	s0 =	rddreg [dreg:$0x9];
	v3 =	vadd.s32 v3, v4  }
0x45: {  	s1 =	rddreg [dreg:$0xe];
	[tilespmem:$0x310] =	vst v3  }
0x46: {  	[hbm4b:s0+s2] =	stream.linear.scatter [tilespmem:s1], [sflag:$0x5], $0x200, $0x38;
	[tilespmem:$0x10380] =	vst v63  }
0x47: {  	_ =	swait.ge [sflag:s11], $0x200  }
0x48: {  	[sflag:s11] =	ssyncset.done $0x0  }
0x49: {  	[sflag:s11] =	ssyncadd.s32 $0xFFFFFE00  }
0x4a: {  	_ =	swait.ge [sflag:s29], $0x8000  }
0x4b: {  	[sflag:s29] =	ssyncset.done $0x0  }
0x4c: {  	[sflag:s29] =	ssyncadd.s32 $0xFFFF8000  }
0x4d: {  	v3 =	vld [tilespmem:$0x180];
	_ =	sdelay $0x4  }
0x4e: {  	v56 =	vshll.u32 v3, $0x3  }
0x4f: {  	v3 =	vand.u32 $0x7, v3;
	v4 =	vand.u32 $0xFFFFFFC0, v56  }
0x50: {  	v3 =	vor.u32 v3, v4  }
0x51: {  	v4 =	vperm.xlane v3, v0;
	_ =	sdelay $0x1  }
0x52: {  	v4 =	vadd.s32 v1, v4;
	_ =	sdelay $0x3  }
0x53: {  	s0 =	simm.s32 $0x380  }
0x54: {  	[hbm4b:s4+s2] =	stream.indirect_vreg.scatter [tilespmem:s0], [sflag:$0x3], $0x80, v4, vm0, $0xb8;
	[tilespmem:$0x10380] =	vst v63  }
0x55: {  	s26 =	simm.s32 $0xB80;
	v3 =	vperm.xlane v3, v2  }
0x56: {  	[hbm4b:s5+s2] =	stream.indirect_vreg.scatter [tilespmem:s26], [sflag:$0x3], $0x80, v4, vm0, $0xb8;
	[tilespmem:$0x10380] =	vst v63  }
0x57: {  	v3 =	vadd.s32 v1, v3  }
0x58: {  	[hbm4b:s6+s2] =	stream.indirect_vreg.scatter [tilespmem:s28], [sflag:$0x3], $0x80, v4, vm0, $0xb8;
	[tilespmem:$0x10380] =	vst v63  }
0x59: {  	_ = 	snop  }
0x5a: {  	[hbm4b:s7+s2] =	stream.indirect_vreg.scatter [tilespmem:s31], [sflag:$0x3], $0x80, v4, vm0, $0xb8;
	[tilespmem:$0x10380] =	vst v63  }
0x5b: {  	s1 =	simm.s32 $0x2380  }
0x5c: {  	[hbm4b:s4+s2] =	stream.indirect_vreg.scatter [tilespmem:s1], [sflag:$0x3], $0x80, v3, vm0, $0xb8;
	[tilespmem:$0x10380] =	vst v63  }
0x5d: {  	s25 =	simm.s32 $0x2B80  }
0x5e: {  	[hbm4b:s5+s2] =	stream.indirect_vreg.scatter [tilespmem:s25], [sflag:$0x3], $0x80, v3, vm0, $0xb8;
	[tilespmem:$0x10380] =	vst v63  }
0x5f: {  	s25 =	simm.s32 $0x3380  }
0x60: {  	[hbm4b:s6+s2] =	stream.indirect_vreg.scatter [tilespmem:s25], [sflag:$0x3], $0x80, v3, vm0, $0xb8;
	[tilespmem:$0x10380] =	vst v63  }
0x61: {  	s25 =	simm.s32 $0x3B80  }
0x62: {  	[hbm4b:s7+s2] =	stream.indirect_vreg.scatter [tilespmem:s25], [sflag:$0x3], $0x80, v3, vm0, $0xb8;
	[tilespmem:$0x10380] =	vst v63  }
0x63: {  	v3 =	vld [tilespmem:$0x190];
	_ =	sdelay $0x4  }
0x64: {  	v57 =	vshll.u32 v3, $0x3  }
0x65: {  	v3 =	vand.u32 $0x7, v3;
	v4 =	vand.u32 $0xFFFFFFC0, v57  }
0x66: {  	v3 =	vor.u32 v3, v4  }
0x67: {  	v4 =	vperm.xlane v3, v0;
	_ =	sdelay $0x1  }
0x68: {  	v4 =	vadd.s32 v1, v4;
	_ =	sdelay $0x3  }
0x69: {  	s25 =	simm.s32 $0x4380  }
0x6a: {  	[hbm4b:s4+s2] =	stream.indirect_vreg.scatter [tilespmem:s25], [sflag:$0x3], $0x80, v4, vm0, $0xb8;
	[tilespmem:$0x10380] =	vst v63  }
0x6b: {  	v3 =	vperm.xlane v3, v2;
	s25 =	simm.s32 $0x4B80  }
0x6c: {  	[hbm4b:s5+s2] =	stream.indirect_vreg.scatter [tilespmem:s25], [sflag:$0x3], $0x80, v4, vm0, $0xb8;
	[tilespmem:$0x10380] =	vst v63  }
0x6d: {  	v3 =	vadd.s32 v1, v3;
	s25 =	simm.s32 $0x5380  }
0x6e: {  	[hbm4b:s6+s2] =	stream.indirect_vreg.scatter [tilespmem:s25], [sflag:$0x3], $0x80, v4, vm0, $0xb8;
	[tilespmem:$0x10380] =	vst v63  }
0x6f: {  	s25 =	simm.s32 $0x5B80  }
0x70: {  	[hbm4b:s7+s2] =	stream.indirect_vreg.scatter [tilespmem:s25], [sflag:$0x3], $0x80, v4, vm0, $0xb8;
	[tilespmem:$0x10380] =	vst v63  }
0x71: {  	s25 =	simm.s32 $0x6380  }
0x72: {  	[hbm4b:s4+s2] =	stream.indirect_vreg.scatter [tilespmem:s25], [sflag:$0x3], $0x80, v3, vm0, $0xb8;
	[tilespmem:$0x10380] =	vst v63  }
0x73: {  	s25 =	simm.s32 $0x6B80  }
0x74: {  	[hbm4b:s5+s2] =	stream.indirect_vreg.scatter [tilespmem:s25], [sflag:$0x3], $0x80, v3, vm0, $0xb8;
	[tilespmem:$0x10380] =	vst v63  }
0x75: {  	s25 =	simm.s32 $0x7380  }
0x76: {  	[hbm4b:s6+s2] =	stream.indirect_vreg.scatter [tilespmem:s25], [sflag:$0x3], $0x80, v3, vm0, $0xb8;
	[tilespmem:$0x10380] =	vst v63  }
0x77: {  	s25 =	simm.s32 $0x7B80  }
0x78: {  	[hbm4b:s7+s2] =	stream.indirect_vreg.scatter [tilespmem:s25], [sflag:$0x3], $0x80, v3, vm0, $0xb8;
	[tilespmem:$0x10380] =	vst v63  }
0x79: {  	_ =	swait.ge [sflag:s30], $0x8000  }
0x7a: {  	[sflag:s30] =	ssyncset.done $0x0  }
0x7b: {  	s1 =	rddreg [dreg:$0xa];
	[sflag:s30] =	ssyncadd.s32 $0xFFFF8000  }
0x7c: {  	[tilespmem:s0], [sflag:$0x1] =	stream.linear.gather [hbm4b:s1+s2], $0x8000, $0x38;
	[tilespmem:$0x10380] =	vst v63  }
0x7d: {  	_ =	swait.ge [sflag:s24], $0x8000  }
0x7e: {  	[sflag:s24] =	ssyncset.done $0x0  }
0x7f: {  	[sflag:s24] =	ssyncadd.s32 $0xFFFF8000  }
0x80: {  	v3 =	vld [tilespmem:$0x200];
	_ =	sdelay $0x4  }
0x81: {  	v58 =	vshll.u32 v3, $0x3  }
0x82: {  	v3 =	vand.u32 $0x7, v3;
	v4 =	vand.u32 $0xFFFFFFC0, v58  }
0x83: {  	v3 =	vor.u32 v3, v4  }
0x84: {  	v4 =	vperm.xlane v3, v0;
	_ =	sdelay $0x1  }
0x85: {  	v4 =	vadd.s32 v1, v4;
	_ =	sdelay $0x3  }
0x86: {  	s1 =	simm.s32 $0x8380  }
0x87: {  	[hbm4b:s4+s2] =	stream.indirect_vreg.scatter [tilespmem:s1], [sflag:$0x4], $0x80, v4, vm0, $0xb8;
	[tilespmem:$0x10380] =	vst v63  }
0x88: {  	v3 =	vperm.xlane v3, v2  }
0x89: {  	[hbm4b:s5+s2] =	stream.indirect_vreg.scatter [tilespmem:s22], [sflag:$0x4], $0x80, v4, vm0, $0xb8;
	[tilespmem:$0x10380] =	vst v63  }
0x8a: {  	v3 =	vadd.s32 v1, v3  }
0x8b: {  	[hbm4b:s6+s2] =	stream.indirect_vreg.scatter [tilespmem:s23], [sflag:$0x4], $0x80, v4, vm0, $0xb8;
	[tilespmem:$0x10380] =	vst v63  }
0x8c: {  	_ = 	snop  }
0x8d: {  	[hbm4b:s7+s2] =	stream.indirect_vreg.scatter [tilespmem:s9], [sflag:$0x4], $0x80, v4, vm0, $0xb8;
	[tilespmem:$0x10380] =	vst v63  }
0x8e: {  	_ = 	snop  }
0x8f: {  	[hbm4b:s4+s2] =	stream.indirect_vreg.scatter [tilespmem:s12], [sflag:$0x4], $0x80, v3, vm0, $0xb8;
	[tilespmem:$0x10380] =	vst v63  }
0x90: {  	_ = 	snop  }
0x91: {  	[hbm4b:s5+s2] =	stream.indirect_vreg.scatter [tilespmem:s20], [sflag:$0x4], $0x80, v3, vm0, $0xb8;
	[tilespmem:$0x10380] =	vst v63  }
0x92: {  	_ = 	snop  }
0x93: {  	[hbm4b:s6+s2] =	stream.indirect_vreg.scatter [tilespmem:s21], [sflag:$0x4], $0x80, v3, vm0, $0xb8;
	[tilespmem:$0x10380] =	vst v63  }
0x94: {  	_ = 	snop  }
0x95: {  	[hbm4b:s7+s2] =	stream.indirect_vreg.scatter [tilespmem:s3], [sflag:$0x4], $0x80, v3, vm0, $0xb8;
	[tilespmem:$0x10380] =	vst v63  }
0x96: {  	v3 =	vld [tilespmem:$0x210];
	_ =	sdelay $0x4  }
0x97: {  	v59 =	vshll.u32 v3, $0x3  }
0x98: {  	v3 =	vand.u32 $0x7, v3;
	v4 =	vand.u32 $0xFFFFFFC0, v59  }
0x99: {  	v3 =	vor.u32 v3, v4  }
0x9a: {  	v4 =	vperm.xlane v3, v0;
	_ =	sdelay $0x1  }
0x9b: {  	v4 =	vadd.s32 v1, v4;
	_ =	sdelay $0x4  }
0x9c: {  	[hbm4b:s4+s2] =	stream.indirect_vreg.scatter [tilespmem:s10], [sflag:$0x4], $0x80, v4, vm0, $0xb8;
	[tilespmem:$0x10380] =	vst v63  }
0x9d: {  	v3 =	vperm.xlane v3, v2  }
0x9e: {  	[hbm4b:s5+s2] =	stream.indirect_vreg.scatter [tilespmem:s13], [sflag:$0x4], $0x80, v4, vm0, $0xb8;
	[tilespmem:$0x10380] =	vst v63  }
0x9f: {  	v3 =	vadd.s32 v1, v3  }
0xa0: {  	[hbm4b:s6+s2] =	stream.indirect_vreg.scatter [tilespmem:s14], [sflag:$0x4], $0x80, v4, vm0, $0xb8;
	[tilespmem:$0x10380] =	vst v63  }
0xa1: {  	_ = 	snop  }
0xa2: {  	[hbm4b:s7+s2] =	stream.indirect_vreg.scatter [tilespmem:s15], [sflag:$0x4], $0x80, v4, vm0, $0xb8;
	[tilespmem:$0x10380] =	vst v63  }
0xa3: {  	_ = 	snop  }
0xa4: {  	[hbm4b:s4+s2] =	stream.indirect_vreg.scatter [tilespmem:s16], [sflag:$0x4], $0x80, v3, vm0, $0xb8;
	[tilespmem:$0x10380] =	vst v63  }
0xa5: {  	_ = 	snop  }
0xa6: {  	[hbm4b:s5+s2] =	stream.indirect_vreg.scatter [tilespmem:s17], [sflag:$0x4], $0x80, v3, vm0, $0xb8;
	[tilespmem:$0x10380] =	vst v63  }
0xa7: {  	_ = 	snop  }
0xa8: {  	[hbm4b:s6+s2] =	stream.indirect_vreg.scatter [tilespmem:s18], [sflag:$0x4], $0x80, v3, vm0, $0xb8;
	[tilespmem:$0x10380] =	vst v63  }
0xa9: {  	s0 =	simm.s32 $0x4  }
0xaa: {  	[hbm4b:s7+s2] =	stream.indirect_vreg.scatter [tilespmem:s19], [sflag:$0x4], $0x80, v3, vm0, $0xb8;
	[tilespmem:$0x10380] =	vst v63  }
0xab: {  	_ =	swait.ge [sflag:s0], $0x8000  }
0xac: {  	[sflag:s0] =	ssyncset.done $0x0  }
0xad: {  	s25 =	rddreg [dreg:$0xb];
	[sflag:s0] =	ssyncadd.s32 $0xFFFF8000  }
0xae: {  	[tilespmem:s1], [sflag:$0x2] =	stream.linear.gather [hbm4b:s25+s2], $0x8000, $0x38;
	[tilespmem:$0x10380] =	vst v63  }
0xaf: {  	_ =	swait.ge [sflag:s29], $0x8000  }
0xb0: {  	[sflag:s29] =	ssyncset.done $0x0  }
0xb1: {  	[sflag:s29] =	ssyncadd.s32 $0xFFFF8000  }
0xb2: {  	v3 =	vld [tilespmem:$0x280];
	_ =	sdelay $0x4  }
0xb3: {  	v60 =	vshll.u32 v3, $0x3  }
0xb4: {  	v3 =	vand.u32 $0x7, v3;
	v4 =	vand.u32 $0xFFFFFFC0, v60  }
0xb5: {  	v3 =	vor.u32 v3, v4  }
0xb6: {  	v4 =	vperm.xlane v3, v0;
	_ =	sdelay $0x1  }
0xb7: {  	v4 =	vadd.s32 v1, v4;
	_ =	sdelay $0x3  }
0xb8: {  	s25 =	simm.s32 $0x380  }
0xb9: {  	[hbm4b:s4+s2] =	stream.indirect_vreg.scatter [tilespmem:s25], [sflag:$0x3], $0x80, v4, vm0, $0xb8;
	[tilespmem:$0x10380] =	vst v63  }
0xba: {  	v3 =	vperm.xlane v3, v2  }
0xbb: {  	[hbm4b:s5+s2] =	stream.indirect_vreg.scatter [tilespmem:s26], [sflag:$0x3], $0x80, v4, vm0, $0xb8;
	[tilespmem:$0x10380] =	vst v63  }
0xbc: {  	v3 =	vadd.s32 v1, v3  }
0xbd: {  	[hbm4b:s6+s2] =	stream.indirect_vreg.scatter [tilespmem:s28], [sflag:$0x3], $0x80, v4, vm0, $0xb8;
	[tilespmem:$0x10380] =	vst v63  }
0xbe: {  	_ = 	snop  }
0xbf: {  	[hbm4b:s7+s2] =	stream.indirect_vreg.scatter [tilespmem:s31], [sflag:$0x3], $0x80, v4, vm0, $0xb8;
	[tilespmem:$0x10380] =	vst v63  }
0xc0: {  	s26 =	simm.s32 $0x2380  }
0xc1: {  	[hbm4b:s4+s2] =	stream.indirect_vreg.scatter [tilespmem:s26], [sflag:$0x3], $0x80, v3, vm0, $0xb8;
	[tilespmem:$0x10380] =	vst v63  }
0xc2: {  	s26 =	simm.s32 $0x2B80  }
0xc3: {  	[hbm4b:s5+s2] =	stream.indirect_vreg.scatter [tilespmem:s26], [sflag:$0x3], $0x80, v3, vm0, $0xb8;
	[tilespmem:$0x10380] =	vst v63  }
0xc4: {  	s26 =	simm.s32 $0x3380  }
0xc5: {  	[hbm4b:s6+s2] =	stream.indirect_vreg.scatter [tilespmem:s26], [sflag:$0x3], $0x80, v3, vm0, $0xb8;
	[tilespmem:$0x10380] =	vst v63  }
0xc6: {  	s26 =	simm.s32 $0x3B80  }
0xc7: {  	[hbm4b:s7+s2] =	stream.indirect_vreg.scatter [tilespmem:s26], [sflag:$0x3], $0x80, v3, vm0, $0xb8;
	[tilespmem:$0x10380] =	vst v63  }
0xc8: {  	v3 =	vld [tilespmem:$0x290];
	_ =	sdelay $0x4  }
0xc9: {  	v61 =	vshll.u32 v3, $0x3  }
0xca: {  	v3 =	vand.u32 $0x7, v3;
	v4 =	vand.u32 $0xFFFFFFC0, v61  }
0xcb: {  	v3 =	vor.u32 v3, v4  }
0xcc: {  	v4 =	vperm.xlane v3, v0;
	_ =	sdelay $0x1  }
0xcd: {  	v4 =	vadd.s32 v1, v4;
	_ =	sdelay $0x3  }
0xce: {  	s26 =	simm.s32 $0x4380  }
0xcf: {  	[hbm4b:s4+s2] =	stream.indirect_vreg.scatter [tilespmem:s26], [sflag:$0x3], $0x80, v4, vm0, $0xb8;
	[tilespmem:$0x10380] =	vst v63  }
0xd0: {  	v3 =	vperm.xlane v3, v2;
	s26 =	simm.s32 $0x4B80  }
0xd1: {  	[hbm4b:s5+s2] =	stream.indirect_vreg.scatter [tilespmem:s26], [sflag:$0x3], $0x80, v4, vm0, $0xb8;
	[tilespmem:$0x10380] =	vst v63  }
0xd2: {  	v3 =	vadd.s32 v1, v3;
	s26 =	simm.s32 $0x5380  }
0xd3: {  	[hbm4b:s6+s2] =	stream.indirect_vreg.scatter [tilespmem:s26], [sflag:$0x3], $0x80, v4, vm0, $0xb8;
	[tilespmem:$0x10380] =	vst v63  }
0xd4: {  	s26 =	simm.s32 $0x5B80  }
0xd5: {  	[hbm4b:s7+s2] =	stream.indirect_vreg.scatter [tilespmem:s26], [sflag:$0x3], $0x80, v4, vm0, $0xb8;
	[tilespmem:$0x10380] =	vst v63  }
0xd6: {  	s26 =	simm.s32 $0x6380  }
0xd7: {  	[hbm4b:s4+s2] =	stream.indirect_vreg.scatter [tilespmem:s26], [sflag:$0x3], $0x80, v3, vm0, $0xb8;
	[tilespmem:$0x10380] =	vst v63  }
0xd8: {  	s26 =	simm.s32 $0x6B80  }
0xd9: {  	[hbm4b:s5+s2] =	stream.indirect_vreg.scatter [tilespmem:s26], [sflag:$0x3], $0x80, v3, vm0, $0xb8;
	[tilespmem:$0x10380] =	vst v63  }
0xda: {  	s26 =	simm.s32 $0x7380  }
0xdb: {  	[hbm4b:s6+s2] =	stream.indirect_vreg.scatter [tilespmem:s26], [sflag:$0x3], $0x80, v3, vm0, $0xb8;
	[tilespmem:$0x10380] =	vst v63  }
0xdc: {  	s26 =	simm.s32 $0x7B80  }
0xdd: {  	[hbm4b:s7+s2] =	stream.indirect_vreg.scatter [tilespmem:s26], [sflag:$0x3], $0x80, v3, vm0, $0xb8;
	[tilespmem:$0x10380] =	vst v63  }
0xde: {  	_ =	swait.ge [sflag:s24], $0x8000  }
0xdf: {  	[sflag:s24] =	ssyncset.done $0x0  }
0xe0: {  	[sflag:s24] =	ssyncadd.s32 $0xFFFF8000  }
0xe1: {  	v3 =	vld [tilespmem:$0x300];
	_ =	sdelay $0x4  }
0xe2: {  	v62 =	vshll.u32 v3, $0x3  }
0xe3: {  	v3 =	vand.u32 $0x7, v3;
	v4 =	vand.u32 $0xFFFFFFC0, v62  }
0xe4: {  	v3 =	vor.u32 v3, v4  }
0xe5: {  	v4 =	vperm.xlane v3, v0;
	_ =	sdelay $0x1  }
0xe6: {  	v4 =	vadd.s32 v1, v4;
	_ =	sdelay $0x3  }
0xe7: {  	s1 =	simm.s32 $0x8380  }
0xe8: {  	[hbm4b:s4+s2] =	stream.indirect_vreg.scatter [tilespmem:s1], [sflag:$0x4], $0x80, v4, vm0, $0xb8;
	[tilespmem:$0x10380] =	vst v63  }
0xe9: {  	v3 =	vperm.xlane v3, v2  }
0xea: {  	[hbm4b:s5+s2] =	stream.indirect_vreg.scatter [tilespmem:s22], [sflag:$0x4], $0x80, v4, vm0, $0xb8;
	[tilespmem:$0x10380] =	vst v63  }
0xeb: {  	v3 =	vadd.s32 v1, v3  }
0xec: {  	[hbm4b:s6+s2] =	stream.indirect_vreg.scatter [tilespmem:s23], [sflag:$0x4], $0x80, v4, vm0, $0xb8;
	[tilespmem:$0x10380] =	vst v63  }
0xed: {  	_ = 	snop  }
0xee: {  	[hbm4b:s7+s2] =	stream.indirect_vreg.scatter [tilespmem:s9], [sflag:$0x4], $0x80, v4, vm0, $0xb8;
	[tilespmem:$0x10380] =	vst v63  }
0xef: {  	_ = 	snop  }
0xf0: {  	[hbm4b:s4+s2] =	stream.indirect_vreg.scatter [tilespmem:s12], [sflag:$0x4], $0x80, v3, vm0, $0xb8;
	[tilespmem:$0x10380] =	vst v63  }
0xf1: {  	_ = 	snop  }
0xf2: {  	[hbm4b:s5+s2] =	stream.indirect_vreg.scatter [tilespmem:s20], [sflag:$0x4], $0x80, v3, vm0, $0xb8;
	[tilespmem:$0x10380] =	vst v63  }
0xf3: {  	_ = 	snop  }
0xf4: {  	[hbm4b:s6+s2] =	stream.indirect_vreg.scatter [tilespmem:s21], [sflag:$0x4], $0x80, v3, vm0, $0xb8;
	[tilespmem:$0x10380] =	vst v63  }
0xf5: {  	_ = 	snop  }
0xf6: {  	[hbm4b:s7+s2] =	stream.indirect_vreg.scatter [tilespmem:s3], [sflag:$0x4], $0x80, v3, vm0, $0xb8;
	[tilespmem:$0x10380] =	vst v63  }
0xf7: {  	v3 =	vld [tilespmem:$0x310];
	_ =	sdelay $0x4  }
0xf8: {  	v63 =	vshll.u32 v3, $0x3  }
0xf9: {  	v3 =	vand.u32 $0x7, v3;
	v4 =	vand.u32 $0xFFFFFFC0, v63  }
0xfa: {  	v3 =	vor.u32 v3, v4  }
0xfb: {  	v4 =	vperm.xlane v3, v0;
	_ =	sdelay $0x1  }
0xfc: {  	v4 =	vadd.s32 v1, v4;
	_ =	sdelay $0x4  }
0xfd: {  	[hbm4b:s4+s2] =	stream.indirect_vreg.scatter [tilespmem:s10], [sflag:$0x4], $0x80, v4, vm0, $0xb8;
	[tilespmem:$0x10380] =	vst v63  }
0xfe: {  	v3 =	vperm.xlane v3, v2  }
0xff: {  	[hbm4b:s5+s2] =	stream.indirect_vreg.scatter [tilespmem:s13], [sflag:$0x4], $0x80, v4, vm0, $0xb8;
	[tilespmem:$0x10380] =	vst v63  }
0x100: {  	v3 =	vadd.s32 v1, v3  }
0x101: {  	[hbm4b:s6+s2] =	stream.indirect_vreg.scatter [tilespmem:s14], [sflag:$0x4], $0x80, v4, vm0, $0xb8;
	[tilespmem:$0x10380] =	vst v63  }
0x102: {  	_ = 	snop  }
0x103: {  	[hbm4b:s7+s2] =	stream.indirect_vreg.scatter [tilespmem:s15], [sflag:$0x4], $0x80, v4, vm0, $0xb8;
	[tilespmem:$0x10380] =	vst v63  }
0x104: {  	_ = 	snop  }
0x105: {  	[hbm4b:s4+s2] =	stream.indirect_vreg.scatter [tilespmem:s16], [sflag:$0x4], $0x80, v3, vm0, $0xb8;
	[tilespmem:$0x10380] =	vst v63  }
0x106: {  	_ = 	snop  }
0x107: {  	[hbm4b:s5+s2] =	stream.indirect_vreg.scatter [tilespmem:s17], [sflag:$0x4], $0x80, v3, vm0, $0xb8;
	[tilespmem:$0x10380] =	vst v63  }
0x108: {  	_ = 	snop  }
0x109: {  	[hbm4b:s6+s2] =	stream.indirect_vreg.scatter [tilespmem:s18], [sflag:$0x4], $0x80, v3, vm0, $0xb8;
	[tilespmem:$0x10380] =	vst v63  }
0x10a: {  	_ = 	snop  }
0x10b: {  	[hbm4b:s7+s2] =	stream.indirect_vreg.scatter [tilespmem:s19], [sflag:$0x4], $0x80, v3, vm0, $0xb8;
	[tilespmem:$0x10380] =	vst v63  }
0x10c: {  	p0 =	sne.s32 s8, $0x1;
	_ =	swait.ge [sflag:s30], $0x8000  }
.Ltmp0:
0x10d: {  	[sflag:s30] =	ssyncset.done $0x0;
	(pc) =	sbr.rel @p0 .LBB2_1-.Ltmp0, $4  }
0x10e: {  	[sflag:s30] =	ssyncadd.s32 $0xFFFF8000  }
0x10f: {  	_ =	swait.ge [sflag:s0], $0x8000  }
0x110: {  	[sflag:s0] =	ssyncset.done $0x0  }
0x111: {  	s8 =	sadd.s32 $0xFFFFFFFF, s8;
	[sflag:s0] =	ssyncadd.s32 $0xFFFF8000  }
0x112: {  	_ =	sfence.sel $0x180000  }
0x113: {  	[bflag:$0x0] =	sbarrier.arrive $0xFFFF  }
0x114: {  	_ =	strace $0x90000047  }
0x115: {  	s0 =	stileid.u32;
	[bflag:$0x2] =	sbarrier.arrive $0xFFFF  }
0x116: {  	p0 =	sne.s32 s0, $0x0;
	s0 =	rddreg [dreg:$0x4]  }
0x117: {  	s0 =	sadd.s32 @!p0 $0x100000, s0  }
0x118: {  	[sflag:s0] =	ssyncadd.tile.s32 @!p0 $0x1;
	_ =	shalt  }
.Lfunc_end2:
_tile_overlayer_lowered:
.L_overlay_start_2:
0x119: {  	(tag) =	ssettag $0x2  }
0x11a: {  	s0 =	rddreg [dreg:$0x0];
	s2 =	stileid.u32  }
0x11b: {  	s1 =	rddreg [dreg:$0x1];
	p0 =	sne.s32 s2, $0x0  }
0x11c: {  	s3 =	rddreg [dreg:$0x2];
	[bflag:$0x3] =	sbarrier.arrive $0xFFFF;
	s2 =	simm.s32 @!p0 $0x1C05  }
0x11d: {  	[timem:s3], [sflag:s2] =	dma.local @!p0 [hbm:s0], s1  }
0x11e: {  	s0 =	simm.s32 @!p0 $0x5  }
0x11f: {  	_ =	swait.ge @!p0 [sflag:s0], s1  }
0x120: {  	s1 =	ssub.s32 @!p0 $0x0, s1;
	[sflag:s0] =	ssyncset.done @!p0 $0x0  }
0x121: {  	[sflag:s0] =	ssyncadd.s32 @!p0 s1  }
0x122: {  	[bflag:$0x3] =	sbarrier.arrive $0xFFFF  }
0x123: {  	_ =	shalt  }

</sc_bundles>
